<compile_context>
chip_gen: v7x
topology: tpu7x:2x2x1
jax: 0.10.2.dev20260603
libtpu: 0.0.44.dev20260713+nightly
codegen_flags: <defaults>
</compile_context>

<pallas_src>
import functools

import jax
import jax.numpy as jnp
from jax import lax
from jax.experimental import pallas as pl
from jax.experimental.pallas import tpu as pltpu
from jax.experimental.pallas import tpu_sc as plsc

N_FEATURES = 26
N_CATEGORIES = 1000
EMBED_DIM = 64
HIDDEN = 512
BATCH = 4096
IN_DIM = N_FEATURES * EMBED_DIM
TOTAL_ROWS = BATCH * N_FEATURES

_SPLIT = 1
_SLICE_B = BATCH // _SPLIT
_SLICE_ROWS = TOTAL_ROWS // _SPLIT

_NUM_CORES = 2
_NUM_SUBCORES = 16
_NW = _NUM_CORES * _NUM_SUBCORES
_CHUNK = 128


_NBUF = 6
_LOOKAHEAD = 5


def _sc_gather_body(chunks_per_w, chunk, idx_hbm, table_hbm, out_hbm,
                    idx_v, bufs, gsems, ssems):
    wid = lax.axis_index("s") * _NUM_CORES + lax.axis_index("c")
    base = wid * chunks_per_w
    rows_per_w = chunks_per_w * chunk
    pltpu.sync_copy(idx_hbm.at[pl.ds(wid * rows_per_w, rows_per_w)], idx_v)

    def start_gather(c):
        pltpu.async_copy(table_hbm.at[idx_v.at[pl.ds(c * chunk, chunk)]],
                         bufs[c % _NBUF], gsems[c % _NBUF])

    def wait_gather(c):
        pltpu.make_async_copy(table_hbm.at[idx_v.at[pl.ds(c * chunk, chunk)]],
                              bufs[c % _NBUF], gsems[c % _NBUF]).wait()

    def start_store(c):
        off = pl.multiple_of((base + c) * chunk, chunk)
        pltpu.async_copy(bufs[c % _NBUF], out_hbm.at[pl.ds(off, chunk)],
                         ssems[c % _NBUF])

    def wait_store(c):
        off = pl.multiple_of((base + c) * chunk, chunk)
        pltpu.make_async_copy(bufs[c % _NBUF], out_hbm.at[pl.ds(off, chunk)],
                              ssems[c % _NBUF]).wait()

    for c in range(min(_LOOKAHEAD, chunks_per_w)):
        start_gather(c)
    for c in range(chunks_per_w):
        n = c + _LOOKAHEAD
        if n < chunks_per_w:
            if n - _NBUF >= 0:
                wait_store(n - _NBUF)
            start_gather(n)
        wait_gather(c)
        start_store(c)
    for c in range(max(0, chunks_per_w - _NBUF), chunks_per_w):
        wait_store(c)


@functools.lru_cache(maxsize=2)
def _sc_gather_fn(total_rows):
    rows_per_w = total_rows // _NW
    chunk = max(c for c in range(8, _CHUNK + 1, 8) if rows_per_w % c == 0)
    chunks_per_w = rows_per_w // chunk
    mesh = plsc.VectorSubcoreMesh(
        core_axis_name="c", subcore_axis_name="s",
        num_cores=_NUM_CORES, num_subcores=_NUM_SUBCORES,
    )
    return pl.kernel(
        functools.partial(_sc_gather_body, chunks_per_w, chunk),
        out_type=jax.ShapeDtypeStruct((total_rows, EMBED_DIM), jnp.float32),
        mesh=mesh,
        scratch_types=[
            pltpu.VMEM((rows_per_w,), jnp.int32),
            [pltpu.VMEM((chunk, EMBED_DIM), jnp.float32)] * _NBUF,
            [pltpu.SemaphoreType.DMA] * _NBUF,
            [pltpu.SemaphoreType.DMA] * _NBUF,
        ],
        compiler_params=pltpu.CompilerParams(use_tc_tiling_on_sc=False),
    )


_BT = 1024


def _mlp_body(h_ref, w0_ref, b0_ref, w1_ref, b1_ref, w2_ref, b2_ref,
              wout_ref, bout_ref, out_ref):
    h = h_ref[...]
    a = jnp.dot(h, w0_ref[...], preferred_element_type=jnp.float32)
    a = jnp.maximum(a + b0_ref[...], 0.0)
    a = jnp.dot(a, w1_ref[...], preferred_element_type=jnp.float32)
    a = jnp.maximum(a + b1_ref[...], 0.0)
    a = jnp.dot(a, w2_ref[...], preferred_element_type=jnp.float32)
    a = jnp.maximum(a + b2_ref[...], 0.0)
    z = jnp.sum(a * wout_ref[...], axis=1, keepdims=True) + bout_ref[...]
    out_ref[...] = 1.0 / (1.0 + jnp.exp(-z))


def _mlp(h, W0, b0, W1, b1, W2, b2, WoutT, bout):
    nb = h.shape[0]
    return pl.pallas_call(
        _mlp_body,
        grid=(nb // _BT,),
        in_specs=[
            pl.BlockSpec((_BT, IN_DIM), lambda i: (i, 0)),
            pl.BlockSpec((IN_DIM, HIDDEN), lambda i: (0, 0)),
            pl.BlockSpec((1, HIDDEN), lambda i: (0, 0)),
            pl.BlockSpec((HIDDEN, HIDDEN), lambda i: (0, 0)),
            pl.BlockSpec((1, HIDDEN), lambda i: (0, 0)),
            pl.BlockSpec((HIDDEN, HIDDEN), lambda i: (0, 0)),
            pl.BlockSpec((1, HIDDEN), lambda i: (0, 0)),
            pl.BlockSpec((1, HIDDEN), lambda i: (0, 0)),
            pl.BlockSpec((1, 1), lambda i: (0, 0)),
        ],
        out_specs=pl.BlockSpec((_BT, 1), lambda i: (i, 0)),
        out_shape=jax.ShapeDtypeStruct((nb, 1), jnp.float32),
    )(h, W0, b0, W1, b1, W2, b2, WoutT, bout)


def kernel(x, table, W0, b0, W1, b1, W2, b2, Wout, bout):
    offsets = (jnp.arange(N_FEATURES, dtype=jnp.int32) * N_CATEGORIES)
    idx = x.astype(jnp.int32) + offsets[None, :]
    idx4 = idx.reshape(_SPLIT, _SLICE_ROWS)

    gather = _sc_gather_fn(_SLICE_ROWS)
    b0r, b1r, b2r = (b.reshape(1, HIDDEN) for b in (b0, b1, b2))
    WoutT = Wout.reshape(1, HIDDEN)
    boutr = bout.reshape(1, 1)

    outs = []
    for s in range(_SPLIT):
        emb = gather(idx4[s], table)
        h = emb.reshape(_SLICE_B, IN_DIM)
        outs.append(_mlp(h, W0, b0r, W1, b1r, W2, b2r, WoutT, boutr))
    return jnp.concatenate(outs, axis=0)

# --- scband reference (transcript-rebuilt; emitter-appended) ---
"""Pipeline reference for scband-mlxembedding-mlp-27315992003184 (READ-ONLY COPY).

The authoritative reference and input builder live on the scoring server;
editing this copy changes nothing except your own understanding.
"""

import jax, jax.numpy as jnp
import numpy as np

N_FEATURES = 26
N_CATEGORIES = 1000
EMBED_DIM = 64
HIDDEN = 512
BATCH = 4096

def setup_inputs(seed: int = 0) -> dict:
    key = jax.random.key(seed)
    ks = jax.random.split(key, 12)
    x = jax.random.randint(ks[0], (BATCH, N_FEATURES), 0, N_CATEGORIES)
    table = jax.random.normal(ks[1], (N_FEATURES * N_CATEGORIES, EMBED_DIM), dtype=jnp.float32) * 0.02
    in_dim = EMBED_DIM * N_FEATURES
    W0 = jax.random.normal(ks[2], (in_dim, HIDDEN), dtype=jnp.float32) * (1.0 / np.sqrt(in_dim))
    b0 = jnp.zeros((HIDDEN,), dtype=jnp.float32)
    W1 = jax.random.normal(ks[3], (HIDDEN, HIDDEN), dtype=jnp.float32) * (1.0 / np.sqrt(HIDDEN))
    b1 = jnp.zeros((HIDDEN,), dtype=jnp.float32)
    W2 = jax.random.normal(ks[4], (HIDDEN, HIDDEN), dtype=jnp.float32) * (1.0 / np.sqrt(HIDDEN))
    b2 = jnp.zeros((HIDDEN,), dtype=jnp.float32)
    Wout = jax.random.normal(ks[5], (HIDDEN, 1), dtype=jnp.float32) * (1.0 / np.sqrt(HIDDEN))
    bout = jnp.zeros((1,), dtype=jnp.float32)
    return {"x": x, "table": table, "W0": W0, "b0": b0, "W1": W1, "b1": b1, "W2": W2, "b2": b2, "Wout": Wout, "bout": bout}

def reference(x, table, W0, b0, W1, b1, W2, b2, Wout, bout):
    offsets = (jnp.arange(N_FEATURES) * N_CATEGORIES).astype(x.dtype)
    idx = x + offsets[None, :]
    emb = jnp.take(table, idx, axis=0)  # [B, n_features, embed_dim]
    h = emb.reshape(emb.shape[0], -1)   # [B, n_features*embed_dim]
    h = jax.nn.relu(h @ W0 + b0)
    h = jax.nn.relu(h @ W1 + b1)
    h = jax.nn.relu(h @ W2 + b2)
    out = jax.nn.sigmoid(h @ Wout + bout)
    return out

if __name__ == "__main__":
    import jax
    _d = setup_inputs()
    print(jax.jit(kernel)(*tuple(_d.values())))

</pallas_src>

<mosaic_0001>
#map = affine_map<(d0, d1) -> (0)>
#map1 = affine_map<(d0, d1) -> (0, 0)>
module attributes {stable_mosaic.version = 14 : i64} {
  func.func @_sc_gather_body(%arg0: i32, %arg1: i32, %arg2: memref<106496xi32, #tpu.memory_space<hbm>>, %arg3: memref<26000x64xf32, #tpu.memory_space<hbm>>, %arg4: memref<106496x64xf32, #tpu.memory_space<hbm>>, %arg5: memref<3328xi32, #tpu.memory_space<vmem>>, %arg6: memref<128x64xf32, #tpu.memory_space<vmem>>, %arg7: memref<128x64xf32, #tpu.memory_space<vmem>>, %arg8: memref<128x64xf32, #tpu.memory_space<vmem>>, %arg9: memref<128x64xf32, #tpu.memory_space<vmem>>, %arg10: memref<128x64xf32, #tpu.memory_space<vmem>>, %arg11: memref<128x64xf32, #tpu.memory_space<vmem>>, %arg12: memref<!tpu.dma_semaphore, #tpu.memory_space<semaphore_mem>>, %arg13: memref<!tpu.dma_semaphore, #tpu.memory_space<semaphore_mem>>, %arg14: memref<!tpu.dma_semaphore, #tpu.memory_space<semaphore_mem>>, %arg15: memref<!tpu.dma_semaphore, #tpu.memory_space<semaphore_mem>>, %arg16: memref<!tpu.dma_semaphore, #tpu.memory_space<semaphore_mem>>, %arg17: memref<!tpu.dma_semaphore, #tpu.memory_space<semaphore_mem>>, %arg18: memref<!tpu.dma_semaphore, #tpu.memory_space<semaphore_mem>>, %arg19: memref<!tpu.dma_semaphore, #tpu.memory_space<semaphore_mem>>, %arg20: memref<!tpu.dma_semaphore, #tpu.memory_space<semaphore_mem>>, %arg21: memref<!tpu.dma_semaphore, #tpu.memory_space<semaphore_mem>>, %arg22: memref<!tpu.dma_semaphore, #tpu.memory_space<semaphore_mem>>, %arg23: memref<!tpu.dma_semaphore, #tpu.memory_space<semaphore_mem>>) attributes {dimension_semantics = [#tpu.dimension_semantics<core_parallel>, #tpu.dimension_semantics<subcore_parallel>], iteration_bounds = array<i64: 2, 16>, scalar_prefetch = 0 : i64, scratch_operands = 19 : i64, tpu.core_type = #tpu.core_type<sc_vector_subcore>, window_params = [{transform_indices = #map}, {transform_indices = #map1}, {transform_indices = #map1}]} {
    %mul3A = arith.constant 2 : i32
    %mul3A_0 = arith.muli %arg1, %mul3A : i32
    %add3A = arith.addi %mul3A_0, %arg0 : i32
    %mul3A_1 = arith.constant 26 : i32
    %mul3A_2 = arith.muli %add3A, %mul3A_1 : i32
    %mul3A_3 = arith.constant 3328 : i32
    %mul3A_4 = arith.muli %add3A, %mul3A_3 : i32
    "tpu.region"() ({
      %run_scoped3A = tpu.sem_alloc : memref<!tpu.dma_semaphore, #tpu.memory_space<semaphore_mem>>
      %dma_start3A_730 = tpu.memref_slice %arg2[%mul3A_4] : memref<106496xi32, #tpu.memory_space<hbm>> -> memref<3328xi32, #tpu.memory_space<hbm>>
      %dma_start3A_731 = tpu.memref_slice %arg2[%mul3A_4] : memref<106496xi32, #tpu.memory_space<hbm>> -> memref<3328xi32, #tpu.memory_space<hbm>>
      tpu.enqueue_dma source(%dma_start3A_731 : memref<3328xi32, #tpu.memory_space<hbm>>) target(%arg5 : memref<3328xi32, #tpu.memory_space<vmem>>) target_semaphore(%run_scoped3A : memref<!tpu.dma_semaphore, #tpu.memory_space<semaphore_mem>>)
      %dma_wait3A_732 = tpu.memref_slice %arg2[%mul3A_4] : memref<106496xi32, #tpu.memory_space<hbm>> -> memref<3328xi32, #tpu.memory_space<hbm>>
      %dma_wait3A_733 = tpu.memref_slice %arg2[%mul3A_4] : memref<106496xi32, #tpu.memory_space<hbm>> -> memref<3328xi32, #tpu.memory_space<hbm>>
      tpu.wait_dma2 semaphore(%run_scoped3A : memref<!tpu.dma_semaphore, #tpu.memory_space<semaphore_mem>>) src(%dma_wait3A_733 : memref<3328xi32, #tpu.memory_space<hbm>>) dst(%arg5 : memref<3328xi32, #tpu.memory_space<vmem>>)
      tpu.yield
    }) : () -> ()
    %dma_start3A = arith.constant 0 : i32
    %dma_start3A_5 = tpu.memref_slice %arg5[%dma_start3A] : memref<3328xi32, #tpu.memory_space<vmem>> -> memref<128xi32, #tpu.memory_space<vmem>>
    %dma_start3A_6 = arith.constant 0 : i32
    %dma_start3A_7 = arith.constant 0 : i32
    %dma_start3A_8 = tpu.memref_slice %arg3[%dma_start3A_6, %dma_start3A_7] : memref<26000x64xf32, #tpu.memory_space<hbm>> -> memref<26000x64xf32, #tpu.memory_space<hbm>>
    tpu.enqueue_indirect_dma source(%dma_start3A_8 : memref<26000x64xf32, #tpu.memory_space<hbm>>) target(%arg6 : memref<128x64xf32, #tpu.memory_space<vmem>>) offsets(%dma_start3A_5 : memref<128xi32, #tpu.memory_space<vmem>>) semaphore(%arg12 : memref<!tpu.dma_semaphore, #tpu.memory_space<semaphore_mem>>)
    %dma_start3A_9 = arith.constant 128 : i32
    %dma_start3A_10 = tpu.memref_slice %arg5[%dma_start3A_9] : memref<3328xi32, #tpu.memory_space<vmem>> -> memref<128xi32, #tpu.memory_space<vmem>>
    %dma_start3A_11 = arith.constant 0 : i32
    %dma_start3A_12 = arith.constant 0 : i32
    %dma_start3A_13 = tpu.memref_slice %arg3[%dma_start3A_11, %dma_start3A_12] : memref<26000x64xf32, #tpu.memory_space<hbm>> -> memref<26000x64xf32, #tpu.memory_space<hbm>>
    tpu.enqueue_indirect_dma source(%dma_start3A_13 : memref<26000x64xf32, #tpu.memory_space<hbm>>) target(%arg7 : memref<128x64xf32, #tpu.memory_space<vmem>>) offsets(%dma_start3A_10 : memref<128xi32, #tpu.memory_space<vmem>>) semaphore(%arg13 : memref<!tpu.dma_semaphore, #tpu.memory_space<semaphore_mem>>)
    %dma_start3A_14 = arith.constant 256 : i32
    %dma_start3A_15 = tpu.memref_slice %arg5[%dma_start3A_14] : memref<3328xi32, #tpu.memory_space<vmem>> -> memref<128xi32, #tpu.memory_space<vmem>>
    %dma_start3A_16 = arith.constant 0 : i32
    %dma_start3A_17 = arith.constant 0 : i32
    %dma_start3A_18 = tpu.memref_slice %arg3[%dma_start3A_16, %dma_start3A_17] : memref<26000x64xf32, #tpu.memory_space<hbm>> -> memref<26000x64xf32, #tpu.memory_space<hbm>>
    tpu.enqueue_indirect_dma source(%dma_start3A_18 : memref<26000x64xf32, #tpu.memory_space<hbm>>) target(%arg8 : memref<128x64xf32, #tpu.memory_space<vmem>>) offsets(%dma_start3A_15 : memref<128xi32, #tpu.memory_space<vmem>>) semaphore(%arg14 : memref<!tpu.dma_semaphore, #tpu.memory_space<semaphore_mem>>)
    %dma_start3A_19 = arith.constant 384 : i32
    %dma_start3A_20 = tpu.memref_slice %arg5[%dma_start3A_19] : memref<3328xi32, #tpu.memory_space<vmem>> -> memref<128xi32, #tpu.memory_space<vmem>>
    %dma_start3A_21 = arith.constant 0 : i32
    %dma_start3A_22 = arith.constant 0 : i32
    %dma_start3A_23 = tpu.memref_slice %arg3[%dma_start3A_21, %dma_start3A_22] : memref<26000x64xf32, #tpu.memory_space<hbm>> -> memref<26000x64xf32, #tpu.memory_space<hbm>>
    tpu.enqueue_indirect_dma source(%dma_start3A_23 : memref<26000x64xf32, #tpu.memory_space<hbm>>) target(%arg9 : memref<128x64xf32, #tpu.memory_space<vmem>>) offsets(%dma_start3A_20 : memref<128xi32, #tpu.memory_space<vmem>>) semaphore(%arg15 : memref<!tpu.dma_semaphore, #tpu.memory_space<semaphore_mem>>)
    %dma_start3A_24 = arith.constant 512 : i32
    %dma_start3A_25 = tpu.memref_slice %arg5[%dma_start3A_24] : memref<3328xi32, #tpu.memory_space<vmem>> -> memref<128xi32, #tpu.memory_space<vmem>>
    %dma_start3A_26 = arith.constant 0 : i32
    %dma_start3A_27 = arith.constant 0 : i32
    %dma_start3A_28 = tpu.memref_slice %arg3[%dma_start3A_26, %dma_start3A_27] : memref<26000x64xf32, #tpu.memory_space<hbm>> -> memref<26000x64xf32, #tpu.memory_space<hbm>>
    tpu.enqueue_indirect_dma source(%dma_start3A_28 : memref<26000x64xf32, #tpu.memory_space<hbm>>) target(%arg10 : memref<128x64xf32, #tpu.memory_space<vmem>>) offsets(%dma_start3A_25 : memref<128xi32, #tpu.memory_space<vmem>>) semaphore(%arg16 : memref<!tpu.dma_semaphore, #tpu.memory_space<semaphore_mem>>)
    %dma_start3A_29 = arith.constant 640 : i32
    %dma_start3A_30 = tpu.memref_slice %arg5[%dma_start3A_29] : memref<3328xi32, #tpu.memory_space<vmem>> -> memref<128xi32, #tpu.memory_space<vmem>>
    %dma_start3A_31 = arith.constant 0 : i32
    %dma_start3A_32 = arith.constant 0 : i32
    %dma_start3A_33 = tpu.memref_slice %arg3[%dma_start3A_31, %dma_start3A_32] : memref<26000x64xf32, #tpu.memory_space<hbm>> -> memref<26000x64xf32, #tpu.memory_space<hbm>>
    tpu.enqueue_indirect_dma source(%dma_start3A_33 : memref<26000x64xf32, #tpu.memory_space<hbm>>) target(%arg11 : memref<128x64xf32, #tpu.memory_space<vmem>>) offsets(%dma_start3A_30 : memref<128xi32, #tpu.memory_space<vmem>>) semaphore(%arg17 : memref<!tpu.dma_semaphore, #tpu.memory_space<semaphore_mem>>)
    %dma_wait3A = arith.constant 0 : i32
    %dma_wait3A_34 = tpu.memref_slice %arg5[%dma_wait3A] : memref<3328xi32, #tpu.memory_space<vmem>> -> memref<128xi32, #tpu.memory_space<vmem>>
    %dma_wait3A_35 = arith.constant 0 : i32
    %dma_wait3A_36 = arith.constant 0 : i32
    %dma_wait3A_37 = tpu.memref_slice %arg3[%dma_wait3A_35, %dma_wait3A_36] : memref<26000x64xf32, #tpu.memory_space<hbm>> -> memref<26000x64xf32, #tpu.memory_space<hbm>>
    tpu.wait_indirect_dma semaphore(%arg12 : memref<!tpu.dma_semaphore, #tpu.memory_space<semaphore_mem>>) src(%dma_wait3A_37 : memref<26000x64xf32, #tpu.memory_space<hbm>>) dst(%arg6 : memref<128x64xf32, #tpu.memory_space<vmem>>)
    %add3A_38 = arith.constant 0 : i32
    %add3A_39 = arith.addi %mul3A_2, %add3A_38 : i32
    %mul3A_40 = arith.constant 128 : i32
    %mul3A_41 = arith.muli %add3A_39, %mul3A_40 : i32
    %multiple_of3A = tpu.assume_multiple %mul3A_41, 128 : i32
    %dma_start3A_42 = arith.constant 0 : i32
    %dma_start3A_43 = tpu.memref_slice %arg4[%multiple_of3A, %dma_start3A_42] : memref<106496x64xf32, #tpu.memory_space<hbm>> -> memref<128x64xf32, #tpu.memory_space<hbm>>
    %dma_start3A_44 = arith.constant 0 : i32
    %dma_start3A_45 = tpu.memref_slice %arg4[%multiple_of3A, %dma_start3A_44] : memref<106496x64xf32, #tpu.memory_space<hbm>> -> memref<128x64xf32, #tpu.memory_space<hbm>>
    tpu.enqueue_dma source(%arg6 : memref<128x64xf32, #tpu.memory_space<vmem>>) target(%dma_start3A_45 : memref<128x64xf32, #tpu.memory_space<hbm>>) target_semaphore(%arg18 : memref<!tpu.dma_semaphore, #tpu.memory_space<semaphore_mem>>)
    %add3A_46 = arith.constant 0 : i32
    %add3A_47 = arith.addi %mul3A_2, %add3A_46 : i32
    %mul3A_48 = arith.constant 128 : i32
    %mul3A_49 = arith.muli %add3A_47, %mul3A_48 : i32
    %multiple_of3A_50 = tpu.assume_multiple %mul3A_49, 128 : i32
    %dma_wait3A_51 = arith.constant 0 : i32
    %dma_wait3A_52 = tpu.memref_slice %arg4[%multiple_of3A_50, %dma_wait3A_51] : memref<106496x64xf32, #tpu.memory_space<hbm>> -> memref<128x64xf32, #tpu.memory_space<hbm>>
    %dma_wait3A_53 = arith.constant 0 : i32
    %dma_wait3A_54 = tpu.memref_slice %arg4[%multiple_of3A_50, %dma_wait3A_53] : memref<106496x64xf32, #tpu.memory_space<hbm>> -> memref<128x64xf32, #tpu.memory_space<hbm>>
    tpu.wait_dma2 semaphore(%arg18 : memref<!tpu.dma_semaphore, #tpu.memory_space<semaphore_mem>>) src(%arg6 : memref<128x64xf32, #tpu.memory_space<vmem>>) dst(%dma_wait3A_54 : memref<128x64xf32, #tpu.memory_space<hbm>>)
    %dma_start3A_55 = arith.constant 768 : i32
    %dma_start3A_56 = tpu.memref_slice %arg5[%dma_start3A_55] : memref<3328xi32, #tpu.memory_space<vmem>> -> memref<128xi32, #tpu.memory_space<vmem>>
    %dma_start3A_57 = arith.constant 0 : i32
    %dma_start3A_58 = arith.constant 0 : i32
    %dma_start3A_59 = tpu.memref_slice %arg3[%dma_start3A_57, %dma_start3A_58] : memref<26000x64xf32, #tpu.memory_space<hbm>> -> memref<26000x64xf32, #tpu.memory_space<hbm>>
    tpu.enqueue_indirect_dma source(%dma_start3A_59 : memref<26000x64xf32, #tpu.memory_space<hbm>>) target(%arg6 : memref<128x64xf32, #tpu.memory_space<vmem>>) offsets(%dma_start3A_56 : memref<128xi32, #tpu.memory_space<vmem>>) semaphore(%arg12 : memref<!tpu.dma_semaphore, #tpu.memory_space<semaphore_mem>>)
    %dma_wait3A_60 = arith.constant 128 : i32
    %dma_wait3A_61 = tpu.memref_slice %arg5[%dma_wait3A_60] : memref<3328xi32, #tpu.memory_space<vmem>> -> memref<128xi32, #tpu.memory_space<vmem>>
    %dma_wait3A_62 = arith.constant 0 : i32
    %dma_wait3A_63 = arith.constant 0 : i32
    %dma_wait3A_64 = tpu.memref_slice %arg3[%dma_wait3A_62, %dma_wait3A_63] : memref<26000x64xf32, #tpu.memory_space<hbm>> -> memref<26000x64xf32, #tpu.memory_space<hbm>>
    tpu.wait_indirect_dma semaphore(%arg13 : memref<!tpu.dma_semaphore, #tpu.memory_space<semaphore_mem>>) src(%dma_wait3A_64 : memref<26000x64xf32, #tpu.memory_space<hbm>>) dst(%arg7 : memref<128x64xf32, #tpu.memory_space<vmem>>)
    %add3A_65 = arith.constant 1 : i32
    %add3A_66 = arith.addi %mul3A_2, %add3A_65 : i32
    %mul3A_67 = arith.constant 128 : i32
    %mul3A_68 = arith.muli %add3A_66, %mul3A_67 : i32
    %multiple_of3A_69 = tpu.assume_multiple %mul3A_68, 128 : i32
    %dma_start3A_70 = arith.constant 0 : i32
    %dma_start3A_71 = tpu.memref_slice %arg4[%multiple_of3A_69, %dma_start3A_70] : memref<106496x64xf32, #tpu.memory_space<hbm>> -> memref<128x64xf32, #tpu.memory_space<hbm>>
    %dma_start3A_72 = arith.constant 0 : i32
    %dma_start3A_73 = tpu.memref_slice %arg4[%multiple_of3A_69, %dma_start3A_72] : memref<106496x64xf32, #tpu.memory_space<hbm>> -> memref<128x64xf32, #tpu.memory_space<hbm>>
    tpu.enqueue_dma source(%arg7 : memref<128x64xf32, #tpu.memory_space<vmem>>) target(%dma_start3A_73 : memref<128x64xf32, #tpu.memory_space<hbm>>) target_semaphore(%arg19 : memref<!tpu.dma_semaphore, #tpu.memory_space<semaphore_mem>>)
    %add3A_74 = arith.constant 1 : i32
    %add3A_75 = arith.addi %mul3A_2, %add3A_74 : i32
    %mul3A_76 = arith.constant 128 : i32
    %mul3A_77 = arith.muli %add3A_75, %mul3A_76 : i32
    %multiple_of3A_78 = tpu.assume_multiple %mul3A_77, 128 : i32
    %dma_wait3A_79 = arith.constant 0 : i32
    %dma_wait3A_80 = tpu.memref_slice %arg4[%multiple_of3A_78, %dma_wait3A_79] : memref<106496x64xf32, #tpu.memory_space<hbm>> -> memref<128x64xf32, #tpu.memory_space<hbm>>
    %dma_wait3A_81 = arith.constant 0 : i32
    %dma_wait3A_82 = tpu.memref_slice %arg4[%multiple_of3A_78, %dma_wait3A_81] : memref<106496x64xf32, #tpu.memory_space<hbm>> -> memref<128x64xf32, #tpu.memory_space<hbm>>
    tpu.wait_dma2 semaphore(%arg19 : memref<!tpu.dma_semaphore, #tpu.memory_space<semaphore_mem>>) src(%arg7 : memref<128x64xf32, #tpu.memory_space<vmem>>) dst(%dma_wait3A_82 : memref<128x64xf32, #tpu.memory_space<hbm>>)
    %dma_start3A_83 = arith.constant 896 : i32
    %dma_start3A_84 = tpu.memref_slice %arg5[%dma_start3A_83] : memref<3328xi32, #tpu.memory_space<vmem>> -> memref<128xi32, #tpu.memory_space<vmem>>
    %dma_start3A_85 = arith.constant 0 : i32
    %dma_start3A_86 = arith.constant 0 : i32
    %dma_start3A_87 = tpu.memref_slice %arg3[%dma_start3A_85, %dma_start3A_86] : memref<26000x64xf32, #tpu.memory_space<hbm>> -> memref<26000x64xf32, #tpu.memory_space<hbm>>
    tpu.enqueue_indirect_dma source(%dma_start3A_87 : memref<26000x64xf32, #tpu.memory_space<hbm>>) target(%arg7 : memref<128x64xf32, #tpu.memory_space<vmem>>) offsets(%dma_start3A_84 : memref<128xi32, #tpu.memory_space<vmem>>) semaphore(%arg13 : memref<!tpu.dma_semaphore, #tpu.memory_space<semaphore_mem>>)
    %dma_wait3A_88 = arith.constant 256 : i32
    %dma_wait3A_89 = tpu.memref_slice %arg5[%dma_wait3A_88] : memref<3328xi32, #tpu.memory_space<vmem>> -> memref<128xi32, #tpu.memory_space<vmem>>
    %dma_wait3A_90 = arith.constant 0 : i32
    %dma_wait3A_91 = arith.constant 0 : i32
    %dma_wait3A_92 = tpu.memref_slice %arg3[%dma_wait3A_90, %dma_wait3A_91] : memref<26000x64xf32, #tpu.memory_space<hbm>> -> memref<26000x64xf32, #tpu.memory_space<hbm>>
    tpu.wait_indirect_dma semaphore(%arg14 : memref<!tpu.dma_semaphore, #tpu.memory_space<semaphore_mem>>) src(%dma_wait3A_92 : memref<26000x64xf32, #tpu.memory_space<hbm>>) dst(%arg8 : memref<128x64xf32, #tpu.memory_space<vmem>>)
    %add3A_93 = arith.constant 2 : i32
    %add3A_94 = arith.addi %mul3A_2, %add3A_93 : i32
    %mul3A_95 = arith.constant 128 : i32
    %mul3A_96 = arith.muli %add3A_94, %mul3A_95 : i32
    %multiple_of3A_97 = tpu.assume_multiple %mul3A_96, 128 : i32
    %dma_start3A_98 = arith.constant 0 : i32
    %dma_start3A_99 = tpu.memref_slice %arg4[%multiple_of3A_97, %dma_start3A_98] : memref<106496x64xf32, #tpu.memory_space<hbm>> -> memref<128x64xf32, #tpu.memory_space<hbm>>
    %dma_start3A_100 = arith.constant 0 : i32
    %dma_start3A_101 = tpu.memref_slice %arg4[%multiple_of3A_97, %dma_start3A_100] : memref<106496x64xf32, #tpu.memory_space<hbm>> -> memref<128x64xf32, #tpu.memory_space<hbm>>
    tpu.enqueue_dma source(%arg8 : memref<128x64xf32, #tpu.memory_space<vmem>>) target(%dma_start3A_101 : memref<128x64xf32, #tpu.memory_space<hbm>>) target_semaphore(%arg20 : memref<!tpu.dma_semaphore, #tpu.memory_space<semaphore_mem>>)
    %add3A_102 = arith.constant 2 : i32
    %add3A_103 = arith.addi %mul3A_2, %add3A_102 : i32
    %mul3A_104 = arith.constant 128 : i32
    %mul3A_105 = arith.muli %add3A_103, %mul3A_104 : i32
    %multiple_of3A_106 = tpu.assume_multiple %mul3A_105, 128 : i32
    %dma_wait3A_107 = arith.constant 0 : i32
    %dma_wait3A_108 = tpu.memref_slice %arg4[%multiple_of3A_106, %dma_wait3A_107] : memref<106496x64xf32, #tpu.memory_space<hbm>> -> memref<128x64xf32, #tpu.memory_space<hbm>>
    %dma_wait3A_109 = arith.constant 0 : i32
    %dma_wait3A_110 = tpu.memref_slice %arg4[%multiple_of3A_106, %dma_wait3A_109] : memref<106496x64xf32, #tpu.memory_space<hbm>> -> memref<128x64xf32, #tpu.memory_space<hbm>>
    tpu.wait_dma2 semaphore(%arg20 : memref<!tpu.dma_semaphore, #tpu.memory_space<semaphore_mem>>) src(%arg8 : memref<128x64xf32, #tpu.memory_space<vmem>>) dst(%dma_wait3A_110 : memref<128x64xf32, #tpu.memory_space<hbm>>)
    %dma_start3A_111 = arith.constant 1024 : i32
    %dma_start3A_112 = tpu.memref_slice %arg5[%dma_start3A_111] : memref<3328xi32, #tpu.memory_space<vmem>> -> memref<128xi32, #tpu.memory_space<vmem>>
    %dma_start3A_113 = arith.constant 0 : i32
    %dma_start3A_114 = arith.constant 0 : i32
    %dma_start3A_115 = tpu.memref_slice %arg3[%dma_start3A_113, %dma_start3A_114] : memref<26000x64xf32, #tpu.memory_space<hbm>> -> memref<26000x64xf32, #tpu.memory_space<hbm>>
    tpu.enqueue_indirect_dma source(%dma_start3A_115 : memref<26000x64xf32, #tpu.memory_space<hbm>>) target(%arg8 : memref<128x64xf32, #tpu.memory_space<vmem>>) offsets(%dma_start3A_112 : memref<128xi32, #tpu.memory_space<vmem>>) semaphore(%arg14 : memref<!tpu.dma_semaphore, #tpu.memory_space<semaphore_mem>>)
    %dma_wait3A_116 = arith.constant 384 : i32
    %dma_wait3A_117 = tpu.memref_slice %arg5[%dma_wait3A_116] : memref<3328xi32, #tpu.memory_space<vmem>> -> memref<128xi32, #tpu.memory_space<vmem>>
    %dma_wait3A_118 = arith.constant 0 : i32
    %dma_wait3A_119 = arith.constant 0 : i32
    %dma_wait3A_120 = tpu.memref_slice %arg3[%dma_wait3A_118, %dma_wait3A_119] : memref<26000x64xf32, #tpu.memory_space<hbm>> -> memref<26000x64xf32, #tpu.memory_space<hbm>>
    tpu.wait_indirect_dma semaphore(%arg15 : memref<!tpu.dma_semaphore, #tpu.memory_space<semaphore_mem>>) src(%dma_wait3A_120 : memref<26000x64xf32, #tpu.memory_space<hbm>>) dst(%arg9 : memref<128x64xf32, #tpu.memory_space<vmem>>)
    %add3A_121 = arith.constant 3 : i32
    %add3A_122 = arith.addi %mul3A_2, %add3A_121 : i32
    %mul3A_123 = arith.constant 128 : i32
    %mul3A_124 = arith.muli %add3A_122, %mul3A_123 : i32
    %multiple_of3A_125 = tpu.assume_multiple %mul3A_124, 128 : i32
    %dma_start3A_126 = arith.constant 0 : i32
    %dma_start3A_127 = tpu.memref_slice %arg4[%multiple_of3A_125, %dma_start3A_126] : memref<106496x64xf32, #tpu.memory_space<hbm>> -> memref<128x64xf32, #tpu.memory_space<hbm>>
    %dma_start3A_128 = arith.constant 0 : i32
    %dma_start3A_129 = tpu.memref_slice %arg4[%multiple_of3A_125, %dma_start3A_128] : memref<106496x64xf32, #tpu.memory_space<hbm>> -> memref<128x64xf32, #tpu.memory_space<hbm>>
    tpu.enqueue_dma source(%arg9 : memref<128x64xf32, #tpu.memory_space<vmem>>) target(%dma_start3A_129 : memref<128x64xf32, #tpu.memory_space<hbm>>) target_semaphore(%arg21 : memref<!tpu.dma_semaphore, #tpu.memory_space<semaphore_mem>>)
    %add3A_130 = arith.constant 3 : i32
    %add3A_131 = arith.addi %mul3A_2, %add3A_130 : i32
    %mul3A_132 = arith.constant 128 : i32
    %mul3A_133 = arith.muli %add3A_131, %mul3A_132 : i32
    %multiple_of3A_134 = tpu.assume_multiple %mul3A_133, 128 : i32
    %dma_wait3A_135 = arith.constant 0 : i32
    %dma_wait3A_136 = tpu.memref_slice %arg4[%multiple_of3A_134, %dma_wait3A_135] : memref<106496x64xf32, #tpu.memory_space<hbm>> -> memref<128x64xf32, #tpu.memory_space<hbm>>
    %dma_wait3A_137 = arith.constant 0 : i32
    %dma_wait3A_138 = tpu.memref_slice %arg4[%multiple_of3A_134, %dma_wait3A_137] : memref<106496x64xf32, #tpu.memory_space<hbm>> -> memref<128x64xf32, #tpu.memory_space<hbm>>
    tpu.wait_dma2 semaphore(%arg21 : memref<!tpu.dma_semaphore, #tpu.memory_space<semaphore_mem>>) src(%arg9 : memref<128x64xf32, #tpu.memory_space<vmem>>) dst(%dma_wait3A_138 : memref<128x64xf32, #tpu.memory_space<hbm>>)
    %dma_start3A_139 = arith.constant 1152 : i32
    %dma_start3A_140 = tpu.memref_slice %arg5[%dma_start3A_139] : memref<3328xi32, #tpu.memory_space<vmem>> -> memref<128xi32, #tpu.memory_space<vmem>>
    %dma_start3A_141 = arith.constant 0 : i32
    %dma_start3A_142 = arith.constant 0 : i32
    %dma_start3A_143 = tpu.memref_slice %arg3[%dma_start3A_141, %dma_start3A_142] : memref<26000x64xf32, #tpu.memory_space<hbm>> -> memref<26000x64xf32, #tpu.memory_space<hbm>>
    tpu.enqueue_indirect_dma source(%dma_start3A_143 : memref<26000x64xf32, #tpu.memory_space<hbm>>) target(%arg9 : memref<128x64xf32, #tpu.memory_space<vmem>>) offsets(%dma_start3A_140 : memref<128xi32, #tpu.memory_space<vmem>>) semaphore(%arg15 : memref<!tpu.dma_semaphore, #tpu.memory_space<semaphore_mem>>)
    %dma_wait3A_144 = arith.constant 512 : i32
    %dma_wait3A_145 = tpu.memref_slice %arg5[%dma_wait3A_144] : memref<3328xi32, #tpu.memory_space<vmem>> -> memref<128xi32, #tpu.memory_space<vmem>>
    %dma_wait3A_146 = arith.constant 0 : i32
    %dma_wait3A_147 = arith.constant 0 : i32
    %dma_wait3A_148 = tpu.memref_slice %arg3[%dma_wait3A_146, %dma_wait3A_147] : memref<26000x64xf32, #tpu.memory_space<hbm>> -> memref<26000x64xf32, #tpu.memory_space<hbm>>
    tpu.wait_indirect_dma semaphore(%arg16 : memref<!tpu.dma_semaphore, #tpu.memory_space<semaphore_mem>>) src(%dma_wait3A_148 : memref<26000x64xf32, #tpu.memory_space<hbm>>) dst(%arg10 : memref<128x64xf32, #tpu.memory_space<vmem>>)
    %add3A_149 = arith.constant 4 : i32
    %add3A_150 = arith.addi %mul3A_2, %add3A_149 : i32
    %mul3A_151 = arith.constant 128 : i32
    %mul3A_152 = arith.muli %add3A_150, %mul3A_151 : i32
    %multiple_of3A_153 = tpu.assume_multiple %mul3A_152, 128 : i32
    %dma_start3A_154 = arith.constant 0 : i32
    %dma_start3A_155 = tpu.memref_slice %arg4[%multiple_of3A_153, %dma_start3A_154] : memref<106496x64xf32, #tpu.memory_space<hbm>> -> memref<128x64xf32, #tpu.memory_space<hbm>>
    %dma_start3A_156 = arith.constant 0 : i32
    %dma_start3A_157 = tpu.memref_slice %arg4[%multiple_of3A_153, %dma_start3A_156] : memref<106496x64xf32, #tpu.memory_space<hbm>> -> memref<128x64xf32, #tpu.memory_space<hbm>>
    tpu.enqueue_dma source(%arg10 : memref<128x64xf32, #tpu.memory_space<vmem>>) target(%dma_start3A_157 : memref<128x64xf32, #tpu.memory_space<hbm>>) target_semaphore(%arg22 : memref<!tpu.dma_semaphore, #tpu.memory_space<semaphore_mem>>)
    %add3A_158 = arith.constant 4 : i32
    %add3A_159 = arith.addi %mul3A_2, %add3A_158 : i32
    %mul3A_160 = arith.constant 128 : i32
    %mul3A_161 = arith.muli %add3A_159, %mul3A_160 : i32
    %multiple_of3A_162 = tpu.assume_multiple %mul3A_161, 128 : i32
    %dma_wait3A_163 = arith.constant 0 : i32
    %dma_wait3A_164 = tpu.memref_slice %arg4[%multiple_of3A_162, %dma_wait3A_163] : memref<106496x64xf32, #tpu.memory_space<hbm>> -> memref<128x64xf32, #tpu.memory_space<hbm>>
    %dma_wait3A_165 = arith.constant 0 : i32
    %dma_wait3A_166 = tpu.memref_slice %arg4[%multiple_of3A_162, %dma_wait3A_165] : memref<106496x64xf32, #tpu.memory_space<hbm>> -> memref<128x64xf32, #tpu.memory_space<hbm>>
    tpu.wait_dma2 semaphore(%arg22 : memref<!tpu.dma_semaphore, #tpu.memory_space<semaphore_mem>>) src(%arg10 : memref<128x64xf32, #tpu.memory_space<vmem>>) dst(%dma_wait3A_166 : memref<128x64xf32, #tpu.memory_space<hbm>>)
    %dma_start3A_167 = arith.constant 1280 : i32
    %dma_start3A_168 = tpu.memref_slice %arg5[%dma_start3A_167] : memref<3328xi32, #tpu.memory_space<vmem>> -> memref<128xi32, #tpu.memory_space<vmem>>
    %dma_start3A_169 = arith.constant 0 : i32
    %dma_start3A_170 = arith.constant 0 : i32
    %dma_start3A_171 = tpu.memref_slice %arg3[%dma_start3A_169, %dma_start3A_170] : memref<26000x64xf32, #tpu.memory_space<hbm>> -> memref<26000x64xf32, #tpu.memory_space<hbm>>
    tpu.enqueue_indirect_dma source(%dma_start3A_171 : memref<26000x64xf32, #tpu.memory_space<hbm>>) target(%arg10 : memref<128x64xf32, #tpu.memory_space<vmem>>) offsets(%dma_start3A_168 : memref<128xi32, #tpu.memory_space<vmem>>) semaphore(%arg16 : memref<!tpu.dma_semaphore, #tpu.memory_space<semaphore_mem>>)
    %dma_wait3A_172 = arith.constant 640 : i32
    %dma_wait3A_173 = tpu.memref_slice %arg5[%dma_wait3A_172] : memref<3328xi32, #tpu.memory_space<vmem>> -> memref<128xi32, #tpu.memory_space<vmem>>
    %dma_wait3A_174 = arith.constant 0 : i32
    %dma_wait3A_175 = arith.constant 0 : i32
    %dma_wait3A_176 = tpu.memref_slice %arg3[%dma_wait3A_174, %dma_wait3A_175] : memref<26000x64xf32, #tpu.memory_space<hbm>> -> memref<26000x64xf32, #tpu.memory_space<hbm>>
    tpu.wait_indirect_dma semaphore(%arg17 : memref<!tpu.dma_semaphore, #tpu.memory_space<semaphore_mem>>) src(%dma_wait3A_176 : memref<26000x64xf32, #tpu.memory_space<hbm>>) dst(%arg11 : memref<128x64xf32, #tpu.memory_space<vmem>>)
    %add3A_177 = arith.constant 5 : i32
    %add3A_178 = arith.addi %mul3A_2, %add3A_177 : i32
    %mul3A_179 = arith.constant 128 : i32
    %mul3A_180 = arith.muli %add3A_178, %mul3A_179 : i32
    %multiple_of3A_181 = tpu.assume_multiple %mul3A_180, 128 : i32
    %dma_start3A_182 = arith.constant 0 : i32
    %dma_start3A_183 = tpu.memref_slice %arg4[%multiple_of3A_181, %dma_start3A_182] : memref<106496x64xf32, #tpu.memory_space<hbm>> -> memref<128x64xf32, #tpu.memory_space<hbm>>
    %dma_start3A_184 = arith.constant 0 : i32
    %dma_start3A_185 = tpu.memref_slice %arg4[%multiple_of3A_181, %dma_start3A_184] : memref<106496x64xf32, #tpu.memory_space<hbm>> -> memref<128x64xf32, #tpu.memory_space<hbm>>
    tpu.enqueue_dma source(%arg11 : memref<128x64xf32, #tpu.memory_space<vmem>>) target(%dma_start3A_185 : memref<128x64xf32, #tpu.memory_space<hbm>>) target_semaphore(%arg23 : memref<!tpu.dma_semaphore, #tpu.memory_space<semaphore_mem>>)
    %add3A_186 = arith.constant 5 : i32
    %add3A_187 = arith.addi %mul3A_2, %add3A_186 : i32
    %mul3A_188 = arith.constant 128 : i32
    %mul3A_189 = arith.muli %add3A_187, %mul3A_188 : i32
    %multiple_of3A_190 = tpu.assume_multiple %mul3A_189, 128 : i32
    %dma_wait3A_191 = arith.constant 0 : i32
    %dma_wait3A_192 = tpu.memref_slice %arg4[%multiple_of3A_190, %dma_wait3A_191] : memref<106496x64xf32, #tpu.memory_space<hbm>> -> memref<128x64xf32, #tpu.memory_space<hbm>>
    %dma_wait3A_193 = arith.constant 0 : i32
    %dma_wait3A_194 = tpu.memref_slice %arg4[%multiple_of3A_190, %dma_wait3A_193] : memref<106496x64xf32, #tpu.memory_space<hbm>> -> memref<128x64xf32, #tpu.memory_space<hbm>>
    tpu.wait_dma2 semaphore(%arg23 : memref<!tpu.dma_semaphore, #tpu.memory_space<semaphore_mem>>) src(%arg11 : memref<128x64xf32, #tpu.memory_space<vmem>>) dst(%dma_wait3A_194 : memref<128x64xf32, #tpu.memory_space<hbm>>)
    %dma_start3A_195 = arith.constant 1408 : i32
    %dma_start3A_196 = tpu.memref_slice %arg5[%dma_start3A_195] : memref<3328xi32, #tpu.memory_space<vmem>> -> memref<128xi32, #tpu.memory_space<vmem>>
    %dma_start3A_197 = arith.constant 0 : i32
    %dma_start3A_198 = arith.constant 0 : i32
    %dma_start3A_199 = tpu.memref_slice %arg3[%dma_start3A_197, %dma_start3A_198] : memref<26000x64xf32, #tpu.memory_space<hbm>> -> memref<26000x64xf32, #tpu.memory_space<hbm>>
    tpu.enqueue_indirect_dma source(%dma_start3A_199 : memref<26000x64xf32, #tpu.memory_space<hbm>>) target(%arg11 : memref<128x64xf32, #tpu.memory_space<vmem>>) offsets(%dma_start3A_196 : memref<128xi32, #tpu.memory_space<vmem>>) semaphore(%arg17 : memref<!tpu.dma_semaphore, #tpu.memory_space<semaphore_mem>>)
    %dma_wait3A_200 = arith.constant 768 : i32
    %dma_wait3A_201 = tpu.memref_slice %arg5[%dma_wait3A_200] : memref<3328xi32, #tpu.memory_space<vmem>> -> memref<128xi32, #tpu.memory_space<vmem>>
    %dma_wait3A_202 = arith.constant 0 : i32
    %dma_wait3A_203 = arith.constant 0 : i32
    %dma_wait3A_204 = tpu.memref_slice %arg3[%dma_wait3A_202, %dma_wait3A_203] : memref<26000x64xf32, #tpu.memory_space<hbm>> -> memref<26000x64xf32, #tpu.memory_space<hbm>>
    tpu.wait_indirect_dma semaphore(%arg12 : memref<!tpu.dma_semaphore, #tpu.memory_space<semaphore_mem>>) src(%dma_wait3A_204 : memref<26000x64xf32, #tpu.memory_space<hbm>>) dst(%arg6 : memref<128x64xf32, #tpu.memory_space<vmem>>)
    %add3A_205 = arith.constant 6 : i32
    %add3A_206 = arith.addi %mul3A_2, %add3A_205 : i32
    %mul3A_207 = arith.constant 128 : i32
    %mul3A_208 = arith.muli %add3A_206, %mul3A_207 : i32
    %multiple_of3A_209 = tpu.assume_multiple %mul3A_208, 128 : i32
    %dma_start3A_210 = arith.constant 0 : i32
    %dma_start3A_211 = tpu.memref_slice %arg4[%multiple_of3A_209, %dma_start3A_210] : memref<106496x64xf32, #tpu.memory_space<hbm>> -> memref<128x64xf32, #tpu.memory_space<hbm>>
    %dma_start3A_212 = arith.constant 0 : i32
    %dma_start3A_213 = tpu.memref_slice %arg4[%multiple_of3A_209, %dma_start3A_212] : memref<106496x64xf32, #tpu.memory_space<hbm>> -> memref<128x64xf32, #tpu.memory_space<hbm>>
    tpu.enqueue_dma source(%arg6 : memref<128x64xf32, #tpu.memory_space<vmem>>) target(%dma_start3A_213 : memref<128x64xf32, #tpu.memory_space<hbm>>) target_semaphore(%arg18 : memref<!tpu.dma_semaphore, #tpu.memory_space<semaphore_mem>>)
    %add3A_214 = arith.constant 6 : i32
    %add3A_215 = arith.addi %mul3A_2, %add3A_214 : i32
    %mul3A_216 = arith.constant 128 : i32
    %mul3A_217 = arith.muli %add3A_215, %mul3A_216 : i32
    %multiple_of3A_218 = tpu.assume_multiple %mul3A_217, 128 : i32
    %dma_wait3A_219 = arith.constant 0 : i32
    %dma_wait3A_220 = tpu.memref_slice %arg4[%multiple_of3A_218, %dma_wait3A_219] : memref<106496x64xf32, #tpu.memory_space<hbm>> -> memref<128x64xf32, #tpu.memory_space<hbm>>
    %dma_wait3A_221 = arith.constant 0 : i32
    %dma_wait3A_222 = tpu.memref_slice %arg4[%multiple_of3A_218, %dma_wait3A_221] : memref<106496x64xf32, #tpu.memory_space<hbm>> -> memref<128x64xf32, #tpu.memory_space<hbm>>
    tpu.wait_dma2 semaphore(%arg18 : memref<!tpu.dma_semaphore, #tpu.memory_space<semaphore_mem>>) src(%arg6 : memref<128x64xf32, #tpu.memory_space<vmem>>) dst(%dma_wait3A_222 : memref<128x64xf32, #tpu.memory_space<hbm>>)
    %dma_start3A_223 = arith.constant 1536 : i32
    %dma_start3A_224 = tpu.memref_slice %arg5[%dma_start3A_223] : memref<3328xi32, #tpu.memory_space<vmem>> -> memref<128xi32, #tpu.memory_space<vmem>>
    %dma_start3A_225 = arith.constant 0 : i32
    %dma_start3A_226 = arith.constant 0 : i32
    %dma_start3A_227 = tpu.memref_slice %arg3[%dma_start3A_225, %dma_start3A_226] : memref<26000x64xf32, #tpu.memory_space<hbm>> -> memref<26000x64xf32, #tpu.memory_space<hbm>>
    tpu.enqueue_indirect_dma source(%dma_start3A_227 : memref<26000x64xf32, #tpu.memory_space<hbm>>) target(%arg6 : memref<128x64xf32, #tpu.memory_space<vmem>>) offsets(%dma_start3A_224 : memref<128xi32, #tpu.memory_space<vmem>>) semaphore(%arg12 : memref<!tpu.dma_semaphore, #tpu.memory_space<semaphore_mem>>)
    %dma_wait3A_228 = arith.constant 896 : i32
    %dma_wait3A_229 = tpu.memref_slice %arg5[%dma_wait3A_228] : memref<3328xi32, #tpu.memory_space<vmem>> -> memref<128xi32, #tpu.memory_space<vmem>>
    %dma_wait3A_230 = arith.constant 0 : i32
    %dma_wait3A_231 = arith.constant 0 : i32
    %dma_wait3A_232 = tpu.memref_slice %arg3[%dma_wait3A_230, %dma_wait3A_231] : memref<26000x64xf32, #tpu.memory_space<hbm>> -> memref<26000x64xf32, #tpu.memory_space<hbm>>
    tpu.wait_indirect_dma semaphore(%arg13 : memref<!tpu.dma_semaphore, #tpu.memory_space<semaphore_mem>>) src(%dma_wait3A_232 : memref<26000x64xf32, #tpu.memory_space<hbm>>) dst(%arg7 : memref<128x64xf32, #tpu.memory_space<vmem>>)
    %add3A_233 = arith.constant 7 : i32
    %add3A_234 = arith.addi %mul3A_2, %add3A_233 : i32
    %mul3A_235 = arith.constant 128 : i32
    %mul3A_236 = arith.muli %add3A_234, %mul3A_235 : i32
    %multiple_of3A_237 = tpu.assume_multiple %mul3A_236, 128 : i32
    %dma_start3A_238 = arith.constant 0 : i32
    %dma_start3A_239 = tpu.memref_slice %arg4[%multiple_of3A_237, %dma_start3A_238] : memref<106496x64xf32, #tpu.memory_space<hbm>> -> memref<128x64xf32, #tpu.memory_space<hbm>>
    %dma_start3A_240 = arith.constant 0 : i32
    %dma_start3A_241 = tpu.memref_slice %arg4[%multiple_of3A_237, %dma_start3A_240] : memref<106496x64xf32, #tpu.memory_space<hbm>> -> memref<128x64xf32, #tpu.memory_space<hbm>>
    tpu.enqueue_dma source(%arg7 : memref<128x64xf32, #tpu.memory_space<vmem>>) target(%dma_start3A_241 : memref<128x64xf32, #tpu.memory_space<hbm>>) target_semaphore(%arg19 : memref<!tpu.dma_semaphore, #tpu.memory_space<semaphore_mem>>)
    %add3A_242 = arith.constant 7 : i32
    %add3A_243 = arith.addi %mul3A_2, %add3A_242 : i32
    %mul3A_244 = arith.constant 128 : i32
    %mul3A_245 = arith.muli %add3A_243, %mul3A_244 : i32
    %multiple_of3A_246 = tpu.assume_multiple %mul3A_245, 128 : i32
    %dma_wait3A_247 = arith.constant 0 : i32
    %dma_wait3A_248 = tpu.memref_slice %arg4[%multiple_of3A_246, %dma_wait3A_247] : memref<106496x64xf32, #tpu.memory_space<hbm>> -> memref<128x64xf32, #tpu.memory_space<hbm>>
    %dma_wait3A_249 = arith.constant 0 : i32
    %dma_wait3A_250 = tpu.memref_slice %arg4[%multiple_of3A_246, %dma_wait3A_249] : memref<106496x64xf32, #tpu.memory_space<hbm>> -> memref<128x64xf32, #tpu.memory_space<hbm>>
    tpu.wait_dma2 semaphore(%arg19 : memref<!tpu.dma_semaphore, #tpu.memory_space<semaphore_mem>>) src(%arg7 : memref<128x64xf32, #tpu.memory_space<vmem>>) dst(%dma_wait3A_250 : memref<128x64xf32, #tpu.memory_space<hbm>>)
    %dma_start3A_251 = arith.constant 1664 : i32
    %dma_start3A_252 = tpu.memref_slice %arg5[%dma_start3A_251] : memref<3328xi32, #tpu.memory_space<vmem>> -> memref<128xi32, #tpu.memory_space<vmem>>
    %dma_start3A_253 = arith.constant 0 : i32
    %dma_start3A_254 = arith.constant 0 : i32
    %dma_start3A_255 = tpu.memref_slice %arg3[%dma_start3A_253, %dma_start3A_254] : memref<26000x64xf32, #tpu.memory_space<hbm>> -> memref<26000x64xf32, #tpu.memory_space<hbm>>
    tpu.enqueue_indirect_dma source(%dma_start3A_255 : memref<26000x64xf32, #tpu.memory_space<hbm>>) target(%arg7 : memref<128x64xf32, #tpu.memory_space<vmem>>) offsets(%dma_start3A_252 : memref<128xi32, #tpu.memory_space<vmem>>) semaphore(%arg13 : memref<!tpu.dma_semaphore, #tpu.memory_space<semaphore_mem>>)
    %dma_wait3A_256 = arith.constant 1024 : i32
    %dma_wait3A_257 = tpu.memref_slice %arg5[%dma_wait3A_256] : memref<3328xi32, #tpu.memory_space<vmem>> -> memref<128xi32, #tpu.memory_space<vmem>>
    %dma_wait3A_258 = arith.constant 0 : i32
    %dma_wait3A_259 = arith.constant 0 : i32
    %dma_wait3A_260 = tpu.memref_slice %arg3[%dma_wait3A_258, %dma_wait3A_259] : memref<26000x64xf32, #tpu.memory_space<hbm>> -> memref<26000x64xf32, #tpu.memory_space<hbm>>
    tpu.wait_indirect_dma semaphore(%arg14 : memref<!tpu.dma_semaphore, #tpu.memory_space<semaphore_mem>>) src(%dma_wait3A_260 : memref<26000x64xf32, #tpu.memory_space<hbm>>) dst(%arg8 : memref<128x64xf32, #tpu.memory_space<vmem>>)
    %add3A_261 = arith.constant 8 : i32
    %add3A_262 = arith.addi %mul3A_2, %add3A_261 : i32
    %mul3A_263 = arith.constant 128 : i32
    %mul3A_264 = arith.muli %add3A_262, %mul3A_263 : i32
    %multiple_of3A_265 = tpu.assume_multiple %mul3A_264, 128 : i32
    %dma_start3A_266 = arith.constant 0 : i32
    %dma_start3A_267 = tpu.memref_slice %arg4[%multiple_of3A_265, %dma_start3A_266] : memref<106496x64xf32, #tpu.memory_space<hbm>> -> memref<128x64xf32, #tpu.memory_space<hbm>>
    %dma_start3A_268 = arith.constant 0 : i32
    %dma_start3A_269 = tpu.memref_slice %arg4[%multiple_of3A_265, %dma_start3A_268] : memref<106496x64xf32, #tpu.memory_space<hbm>> -> memref<128x64xf32, #tpu.memory_space<hbm>>
    tpu.enqueue_dma source(%arg8 : memref<128x64xf32, #tpu.memory_space<vmem>>) target(%dma_start3A_269 : memref<128x64xf32, #tpu.memory_space<hbm>>) target_semaphore(%arg20 : memref<!tpu.dma_semaphore, #tpu.memory_space<semaphore_mem>>)
    %add3A_270 = arith.constant 8 : i32
    %add3A_271 = arith.addi %mul3A_2, %add3A_270 : i32
    %mul3A_272 = arith.constant 128 : i32
    %mul3A_273 = arith.muli %add3A_271, %mul3A_272 : i32
    %multiple_of3A_274 = tpu.assume_multiple %mul3A_273, 128 : i32
    %dma_wait3A_275 = arith.constant 0 : i32
    %dma_wait3A_276 = tpu.memref_slice %arg4[%multiple_of3A_274, %dma_wait3A_275] : memref<106496x64xf32, #tpu.memory_space<hbm>> -> memref<128x64xf32, #tpu.memory_space<hbm>>
    %dma_wait3A_277 = arith.constant 0 : i32
    %dma_wait3A_278 = tpu.memref_slice %arg4[%multiple_of3A_274, %dma_wait3A_277] : memref<106496x64xf32, #tpu.memory_space<hbm>> -> memref<128x64xf32, #tpu.memory_space<hbm>>
    tpu.wait_dma2 semaphore(%arg20 : memref<!tpu.dma_semaphore, #tpu.memory_space<semaphore_mem>>) src(%arg8 : memref<128x64xf32, #tpu.memory_space<vmem>>) dst(%dma_wait3A_278 : memref<128x64xf32, #tpu.memory_space<hbm>>)
    %dma_start3A_279 = arith.constant 1792 : i32
    %dma_start3A_280 = tpu.memref_slice %arg5[%dma_start3A_279] : memref<3328xi32, #tpu.memory_space<vmem>> -> memref<128xi32, #tpu.memory_space<vmem>>
    %dma_start3A_281 = arith.constant 0 : i32
    %dma_start3A_282 = arith.constant 0 : i32
    %dma_start3A_283 = tpu.memref_slice %arg3[%dma_start3A_281, %dma_start3A_282] : memref<26000x64xf32, #tpu.memory_space<hbm>> -> memref<26000x64xf32, #tpu.memory_space<hbm>>
    tpu.enqueue_indirect_dma source(%dma_start3A_283 : memref<26000x64xf32, #tpu.memory_space<hbm>>) target(%arg8 : memref<128x64xf32, #tpu.memory_space<vmem>>) offsets(%dma_start3A_280 : memref<128xi32, #tpu.memory_space<vmem>>) semaphore(%arg14 : memref<!tpu.dma_semaphore, #tpu.memory_space<semaphore_mem>>)
    %dma_wait3A_284 = arith.constant 1152 : i32
    %dma_wait3A_285 = tpu.memref_slice %arg5[%dma_wait3A_284] : memref<3328xi32, #tpu.memory_space<vmem>> -> memref<128xi32, #tpu.memory_space<vmem>>
    %dma_wait3A_286 = arith.constant 0 : i32
    %dma_wait3A_287 = arith.constant 0 : i32
    %dma_wait3A_288 = tpu.memref_slice %arg3[%dma_wait3A_286, %dma_wait3A_287] : memref<26000x64xf32, #tpu.memory_space<hbm>> -> memref<26000x64xf32, #tpu.memory_space<hbm>>
    tpu.wait_indirect_dma semaphore(%arg15 : memref<!tpu.dma_semaphore, #tpu.memory_space<semaphore_mem>>) src(%dma_wait3A_288 : memref<26000x64xf32, #tpu.memory_space<hbm>>) dst(%arg9 : memref<128x64xf32, #tpu.memory_space<vmem>>)
    %add3A_289 = arith.constant 9 : i32
    %add3A_290 = arith.addi %mul3A_2, %add3A_289 : i32
    %mul3A_291 = arith.constant 128 : i32
    %mul3A_292 = arith.muli %add3A_290, %mul3A_291 : i32
    %multiple_of3A_293 = tpu.assume_multiple %mul3A_292, 128 : i32
    %dma_start3A_294 = arith.constant 0 : i32
    %dma_start3A_295 = tpu.memref_slice %arg4[%multiple_of3A_293, %dma_start3A_294] : memref<106496x64xf32, #tpu.memory_space<hbm>> -> memref<128x64xf32, #tpu.memory_space<hbm>>
    %dma_start3A_296 = arith.constant 0 : i32
    %dma_start3A_297 = tpu.memref_slice %arg4[%multiple_of3A_293, %dma_start3A_296] : memref<106496x64xf32, #tpu.memory_space<hbm>> -> memref<128x64xf32, #tpu.memory_space<hbm>>
    tpu.enqueue_dma source(%arg9 : memref<128x64xf32, #tpu.memory_space<vmem>>) target(%dma_start3A_297 : memref<128x64xf32, #tpu.memory_space<hbm>>) target_semaphore(%arg21 : memref<!tpu.dma_semaphore, #tpu.memory_space<semaphore_mem>>)
    %add3A_298 = arith.constant 9 : i32
    %add3A_299 = arith.addi %mul3A_2, %add3A_298 : i32
    %mul3A_300 = arith.constant 128 : i32
    %mul3A_301 = arith.muli %add3A_299, %mul3A_300 : i32
    %multiple_of3A_302 = tpu.assume_multiple %mul3A_301, 128 : i32
    %dma_wait3A_303 = arith.constant 0 : i32
    %dma_wait3A_304 = tpu.memref_slice %arg4[%multiple_of3A_302, %dma_wait3A_303] : memref<106496x64xf32, #tpu.memory_space<hbm>> -> memref<128x64xf32, #tpu.memory_space<hbm>>
    %dma_wait3A_305 = arith.constant 0 : i32
    %dma_wait3A_306 = tpu.memref_slice %arg4[%multiple_of3A_302, %dma_wait3A_305] : memref<106496x64xf32, #tpu.memory_space<hbm>> -> memref<128x64xf32, #tpu.memory_space<hbm>>
    tpu.wait_dma2 semaphore(%arg21 : memref<!tpu.dma_semaphore, #tpu.memory_space<semaphore_mem>>) src(%arg9 : memref<128x64xf32, #tpu.memory_space<vmem>>) dst(%dma_wait3A_306 : memref<128x64xf32, #tpu.memory_space<hbm>>)
    %dma_start3A_307 = arith.constant 1920 : i32
    %dma_start3A_308 = tpu.memref_slice %arg5[%dma_start3A_307] : memref<3328xi32, #tpu.memory_space<vmem>> -> memref<128xi32, #tpu.memory_space<vmem>>
    %dma_start3A_309 = arith.constant 0 : i32
    %dma_start3A_310 = arith.constant 0 : i32
    %dma_start3A_311 = tpu.memref_slice %arg3[%dma_start3A_309, %dma_start3A_310] : memref<26000x64xf32, #tpu.memory_space<hbm>> -> memref<26000x64xf32, #tpu.memory_space<hbm>>
    tpu.enqueue_indirect_dma source(%dma_start3A_311 : memref<26000x64xf32, #tpu.memory_space<hbm>>) target(%arg9 : memref<128x64xf32, #tpu.memory_space<vmem>>) offsets(%dma_start3A_308 : memref<128xi32, #tpu.memory_space<vmem>>) semaphore(%arg15 : memref<!tpu.dma_semaphore, #tpu.memory_space<semaphore_mem>>)
    %dma_wait3A_312 = arith.constant 1280 : i32
    %dma_wait3A_313 = tpu.memref_slice %arg5[%dma_wait3A_312] : memref<3328xi32, #tpu.memory_space<vmem>> -> memref<128xi32, #tpu.memory_space<vmem>>
    %dma_wait3A_314 = arith.constant 0 : i32
    %dma_wait3A_315 = arith.constant 0 : i32
    %dma_wait3A_316 = tpu.memref_slice %arg3[%dma_wait3A_314, %dma_wait3A_315] : memref<26000x64xf32, #tpu.memory_space<hbm>> -> memref<26000x64xf32, #tpu.memory_space<hbm>>
    tpu.wait_indirect_dma semaphore(%arg16 : memref<!tpu.dma_semaphore, #tpu.memory_space<semaphore_mem>>) src(%dma_wait3A_316 : memref<26000x64xf32, #tpu.memory_space<hbm>>) dst(%arg10 : memref<128x64xf32, #tpu.memory_space<vmem>>)
    %add3A_317 = arith.constant 10 : i32
    %add3A_318 = arith.addi %mul3A_2, %add3A_317 : i32
    %mul3A_319 = arith.constant 128 : i32
    %mul3A_320 = arith.muli %add3A_318, %mul3A_319 : i32
    %multiple_of3A_321 = tpu.assume_multiple %mul3A_320, 128 : i32
    %dma_start3A_322 = arith.constant 0 : i32
    %dma_start3A_323 = tpu.memref_slice %arg4[%multiple_of3A_321, %dma_start3A_322] : memref<106496x64xf32, #tpu.memory_space<hbm>> -> memref<128x64xf32, #tpu.memory_space<hbm>>
    %dma_start3A_324 = arith.constant 0 : i32
    %dma_start3A_325 = tpu.memref_slice %arg4[%multiple_of3A_321, %dma_start3A_324] : memref<106496x64xf32, #tpu.memory_space<hbm>> -> memref<128x64xf32, #tpu.memory_space<hbm>>
    tpu.enqueue_dma source(%arg10 : memref<128x64xf32, #tpu.memory_space<vmem>>) target(%dma_start3A_325 : memref<128x64xf32, #tpu.memory_space<hbm>>) target_semaphore(%arg22 : memref<!tpu.dma_semaphore, #tpu.memory_space<semaphore_mem>>)
    %add3A_326 = arith.constant 10 : i32
    %add3A_327 = arith.addi %mul3A_2, %add3A_326 : i32
    %mul3A_328 = arith.constant 128 : i32
    %mul3A_329 = arith.muli %add3A_327, %mul3A_328 : i32
    %multiple_of3A_330 = tpu.assume_multiple %mul3A_329, 128 : i32
    %dma_wait3A_331 = arith.constant 0 : i32
    %dma_wait3A_332 = tpu.memref_slice %arg4[%multiple_of3A_330, %dma_wait3A_331] : memref<106496x64xf32, #tpu.memory_space<hbm>> -> memref<128x64xf32, #tpu.memory_space<hbm>>
    %dma_wait3A_333 = arith.constant 0 : i32
    %dma_wait3A_334 = tpu.memref_slice %arg4[%multiple_of3A_330, %dma_wait3A_333] : memref<106496x64xf32, #tpu.memory_space<hbm>> -> memref<128x64xf32, #tpu.memory_space<hbm>>
    tpu.wait_dma2 semaphore(%arg22 : memref<!tpu.dma_semaphore, #tpu.memory_space<semaphore_mem>>) src(%arg10 : memref<128x64xf32, #tpu.memory_space<vmem>>) dst(%dma_wait3A_334 : memref<128x64xf32, #tpu.memory_space<hbm>>)
    %dma_start3A_335 = arith.constant 2048 : i32
    %dma_start3A_336 = tpu.memref_slice %arg5[%dma_start3A_335] : memref<3328xi32, #tpu.memory_space<vmem>> -> memref<128xi32, #tpu.memory_space<vmem>>
    %dma_start3A_337 = arith.constant 0 : i32
    %dma_start3A_338 = arith.constant 0 : i32
    %dma_start3A_339 = tpu.memref_slice %arg3[%dma_start3A_337, %dma_start3A_338] : memref<26000x64xf32, #tpu.memory_space<hbm>> -> memref<26000x64xf32, #tpu.memory_space<hbm>>
    tpu.enqueue_indirect_dma source(%dma_start3A_339 : memref<26000x64xf32, #tpu.memory_space<hbm>>) target(%arg10 : memref<128x64xf32, #tpu.memory_space<vmem>>) offsets(%dma_start3A_336 : memref<128xi32, #tpu.memory_space<vmem>>) semaphore(%arg16 : memref<!tpu.dma_semaphore, #tpu.memory_space<semaphore_mem>>)
    %dma_wait3A_340 = arith.constant 1408 : i32
    %dma_wait3A_341 = tpu.memref_slice %arg5[%dma_wait3A_340] : memref<3328xi32, #tpu.memory_space<vmem>> -> memref<128xi32, #tpu.memory_space<vmem>>
    %dma_wait3A_342 = arith.constant 0 : i32
    %dma_wait3A_343 = arith.constant 0 : i32
    %dma_wait3A_344 = tpu.memref_slice %arg3[%dma_wait3A_342, %dma_wait3A_343] : memref<26000x64xf32, #tpu.memory_space<hbm>> -> memref<26000x64xf32, #tpu.memory_space<hbm>>
    tpu.wait_indirect_dma semaphore(%arg17 : memref<!tpu.dma_semaphore, #tpu.memory_space<semaphore_mem>>) src(%dma_wait3A_344 : memref<26000x64xf32, #tpu.memory_space<hbm>>) dst(%arg11 : memref<128x64xf32, #tpu.memory_space<vmem>>)
    %add3A_345 = arith.constant 11 : i32
    %add3A_346 = arith.addi %mul3A_2, %add3A_345 : i32
    %mul3A_347 = arith.constant 128 : i32
    %mul3A_348 = arith.muli %add3A_346, %mul3A_347 : i32
    %multiple_of3A_349 = tpu.assume_multiple %mul3A_348, 128 : i32
    %dma_start3A_350 = arith.constant 0 : i32
    %dma_start3A_351 = tpu.memref_slice %arg4[%multiple_of3A_349, %dma_start3A_350] : memref<106496x64xf32, #tpu.memory_space<hbm>> -> memref<128x64xf32, #tpu.memory_space<hbm>>
    %dma_start3A_352 = arith.constant 0 : i32
    %dma_start3A_353 = tpu.memref_slice %arg4[%multiple_of3A_349, %dma_start3A_352] : memref<106496x64xf32, #tpu.memory_space<hbm>> -> memref<128x64xf32, #tpu.memory_space<hbm>>
    tpu.enqueue_dma source(%arg11 : memref<128x64xf32, #tpu.memory_space<vmem>>) target(%dma_start3A_353 : memref<128x64xf32, #tpu.memory_space<hbm>>) target_semaphore(%arg23 : memref<!tpu.dma_semaphore, #tpu.memory_space<semaphore_mem>>)
    %add3A_354 = arith.constant 11 : i32
    %add3A_355 = arith.addi %mul3A_2, %add3A_354 : i32
    %mul3A_356 = arith.constant 128 : i32
    %mul3A_357 = arith.muli %add3A_355, %mul3A_356 : i32
    %multiple_of3A_358 = tpu.assume_multiple %mul3A_357, 128 : i32
    %dma_wait3A_359 = arith.constant 0 : i32
    %dma_wait3A_360 = tpu.memref_slice %arg4[%multiple_of3A_358, %dma_wait3A_359] : memref<106496x64xf32, #tpu.memory_space<hbm>> -> memref<128x64xf32, #tpu.memory_space<hbm>>
    %dma_wait3A_361 = arith.constant 0 : i32
    %dma_wait3A_362 = tpu.memref_slice %arg4[%multiple_of3A_358, %dma_wait3A_361] : memref<106496x64xf32, #tpu.memory_space<hbm>> -> memref<128x64xf32, #tpu.memory_space<hbm>>
    tpu.wait_dma2 semaphore(%arg23 : memref<!tpu.dma_semaphore, #tpu.memory_space<semaphore_mem>>) src(%arg11 : memref<128x64xf32, #tpu.memory_space<vmem>>) dst(%dma_wait3A_362 : memref<128x64xf32, #tpu.memory_space<hbm>>)
    %dma_start3A_363 = arith.constant 2176 : i32
    %dma_start3A_364 = tpu.memref_slice %arg5[%dma_start3A_363] : memref<3328xi32, #tpu.memory_space<vmem>> -> memref<128xi32, #tpu.memory_space<vmem>>
    %dma_start3A_365 = arith.constant 0 : i32
    %dma_start3A_366 = arith.constant 0 : i32
    %dma_start3A_367 = tpu.memref_slice %arg3[%dma_start3A_365, %dma_start3A_366] : memref<26000x64xf32, #tpu.memory_space<hbm>> -> memref<26000x64xf32, #tpu.memory_space<hbm>>
    tpu.enqueue_indirect_dma source(%dma_start3A_367 : memref<26000x64xf32, #tpu.memory_space<hbm>>) target(%arg11 : memref<128x64xf32, #tpu.memory_space<vmem>>) offsets(%dma_start3A_364 : memref<128xi32, #tpu.memory_space<vmem>>) semaphore(%arg17 : memref<!tpu.dma_semaphore, #tpu.memory_space<semaphore_mem>>)
    %dma_wait3A_368 = arith.constant 1536 : i32
    %dma_wait3A_369 = tpu.memref_slice %arg5[%dma_wait3A_368] : memref<3328xi32, #tpu.memory_space<vmem>> -> memref<128xi32, #tpu.memory_space<vmem>>
    %dma_wait3A_370 = arith.constant 0 : i32
    %dma_wait3A_371 = arith.constant 0 : i32
    %dma_wait3A_372 = tpu.memref_slice %arg3[%dma_wait3A_370, %dma_wait3A_371] : memref<26000x64xf32, #tpu.memory_space<hbm>> -> memref<26000x64xf32, #tpu.memory_space<hbm>>
    tpu.wait_indirect_dma semaphore(%arg12 : memref<!tpu.dma_semaphore, #tpu.memory_space<semaphore_mem>>) src(%dma_wait3A_372 : memref<26000x64xf32, #tpu.memory_space<hbm>>) dst(%arg6 : memref<128x64xf32, #tpu.memory_space<vmem>>)
    %add3A_373 = arith.constant 12 : i32
    %add3A_374 = arith.addi %mul3A_2, %add3A_373 : i32
    %mul3A_375 = arith.constant 128 : i32
    %mul3A_376 = arith.muli %add3A_374, %mul3A_375 : i32
    %multiple_of3A_377 = tpu.assume_multiple %mul3A_376, 128 : i32
    %dma_start3A_378 = arith.constant 0 : i32
    %dma_start3A_379 = tpu.memref_slice %arg4[%multiple_of3A_377, %dma_start3A_378] : memref<106496x64xf32, #tpu.memory_space<hbm>> -> memref<128x64xf32, #tpu.memory_space<hbm>>
    %dma_start3A_380 = arith.constant 0 : i32
    %dma_start3A_381 = tpu.memref_slice %arg4[%multiple_of3A_377, %dma_start3A_380] : memref<106496x64xf32, #tpu.memory_space<hbm>> -> memref<128x64xf32, #tpu.memory_space<hbm>>
    tpu.enqueue_dma source(%arg6 : memref<128x64xf32, #tpu.memory_space<vmem>>) target(%dma_start3A_381 : memref<128x64xf32, #tpu.memory_space<hbm>>) target_semaphore(%arg18 : memref<!tpu.dma_semaphore, #tpu.memory_space<semaphore_mem>>)
    %add3A_382 = arith.constant 12 : i32
    %add3A_383 = arith.addi %mul3A_2, %add3A_382 : i32
    %mul3A_384 = arith.constant 128 : i32
    %mul3A_385 = arith.muli %add3A_383, %mul3A_384 : i32
    %multiple_of3A_386 = tpu.assume_multiple %mul3A_385, 128 : i32
    %dma_wait3A_387 = arith.constant 0 : i32
    %dma_wait3A_388 = tpu.memref_slice %arg4[%multiple_of3A_386, %dma_wait3A_387] : memref<106496x64xf32, #tpu.memory_space<hbm>> -> memref<128x64xf32, #tpu.memory_space<hbm>>
    %dma_wait3A_389 = arith.constant 0 : i32
    %dma_wait3A_390 = tpu.memref_slice %arg4[%multiple_of3A_386, %dma_wait3A_389] : memref<106496x64xf32, #tpu.memory_space<hbm>> -> memref<128x64xf32, #tpu.memory_space<hbm>>
    tpu.wait_dma2 semaphore(%arg18 : memref<!tpu.dma_semaphore, #tpu.memory_space<semaphore_mem>>) src(%arg6 : memref<128x64xf32, #tpu.memory_space<vmem>>) dst(%dma_wait3A_390 : memref<128x64xf32, #tpu.memory_space<hbm>>)
    %dma_start3A_391 = arith.constant 2304 : i32
    %dma_start3A_392 = tpu.memref_slice %arg5[%dma_start3A_391] : memref<3328xi32, #tpu.memory_space<vmem>> -> memref<128xi32, #tpu.memory_space<vmem>>
    %dma_start3A_393 = arith.constant 0 : i32
    %dma_start3A_394 = arith.constant 0 : i32
    %dma_start3A_395 = tpu.memref_slice %arg3[%dma_start3A_393, %dma_start3A_394] : memref<26000x64xf32, #tpu.memory_space<hbm>> -> memref<26000x64xf32, #tpu.memory_space<hbm>>
    tpu.enqueue_indirect_dma source(%dma_start3A_395 : memref<26000x64xf32, #tpu.memory_space<hbm>>) target(%arg6 : memref<128x64xf32, #tpu.memory_space<vmem>>) offsets(%dma_start3A_392 : memref<128xi32, #tpu.memory_space<vmem>>) semaphore(%arg12 : memref<!tpu.dma_semaphore, #tpu.memory_space<semaphore_mem>>)
    %dma_wait3A_396 = arith.constant 1664 : i32
    %dma_wait3A_397 = tpu.memref_slice %arg5[%dma_wait3A_396] : memref<3328xi32, #tpu.memory_space<vmem>> -> memref<128xi32, #tpu.memory_space<vmem>>
    %dma_wait3A_398 = arith.constant 0 : i32
    %dma_wait3A_399 = arith.constant 0 : i32
    %dma_wait3A_400 = tpu.memref_slice %arg3[%dma_wait3A_398, %dma_wait3A_399] : memref<26000x64xf32, #tpu.memory_space<hbm>> -> memref<26000x64xf32, #tpu.memory_space<hbm>>
    tpu.wait_indirect_dma semaphore(%arg13 : memref<!tpu.dma_semaphore, #tpu.memory_space<semaphore_mem>>) src(%dma_wait3A_400 : memref<26000x64xf32, #tpu.memory_space<hbm>>) dst(%arg7 : memref<128x64xf32, #tpu.memory_space<vmem>>)
    %add3A_401 = arith.constant 13 : i32
    %add3A_402 = arith.addi %mul3A_2, %add3A_401 : i32
    %mul3A_403 = arith.constant 128 : i32
    %mul3A_404 = arith.muli %add3A_402, %mul3A_403 : i32
    %multiple_of3A_405 = tpu.assume_multiple %mul3A_404, 128 : i32
    %dma_start3A_406 = arith.constant 0 : i32
    %dma_start3A_407 = tpu.memref_slice %arg4[%multiple_of3A_405, %dma_start3A_406] : memref<106496x64xf32, #tpu.memory_space<hbm>> -> memref<128x64xf32, #tpu.memory_space<hbm>>
    %dma_start3A_408 = arith.constant 0 : i32
    %dma_start3A_409 = tpu.memref_slice %arg4[%multiple_of3A_405, %dma_start3A_408] : memref<106496x64xf32, #tpu.memory_space<hbm>> -> memref<128x64xf32, #tpu.memory_space<hbm>>
    tpu.enqueue_dma source(%arg7 : memref<128x64xf32, #tpu.memory_space<vmem>>) target(%dma_start3A_409 : memref<128x64xf32, #tpu.memory_space<hbm>>) target_semaphore(%arg19 : memref<!tpu.dma_semaphore, #tpu.memory_space<semaphore_mem>>)
    %add3A_410 = arith.constant 13 : i32
    %add3A_411 = arith.addi %mul3A_2, %add3A_410 : i32
    %mul3A_412 = arith.constant 128 : i32
    %mul3A_413 = arith.muli %add3A_411, %mul3A_412 : i32
    %multiple_of3A_414 = tpu.assume_multiple %mul3A_413, 128 : i32
    %dma_wait3A_415 = arith.constant 0 : i32
    %dma_wait3A_416 = tpu.memref_slice %arg4[%multiple_of3A_414, %dma_wait3A_415] : memref<106496x64xf32, #tpu.memory_space<hbm>> -> memref<128x64xf32, #tpu.memory_space<hbm>>
    %dma_wait3A_417 = arith.constant 0 : i32
    %dma_wait3A_418 = tpu.memref_slice %arg4[%multiple_of3A_414, %dma_wait3A_417] : memref<106496x64xf32, #tpu.memory_space<hbm>> -> memref<128x64xf32, #tpu.memory_space<hbm>>
    tpu.wait_dma2 semaphore(%arg19 : memref<!tpu.dma_semaphore, #tpu.memory_space<semaphore_mem>>) src(%arg7 : memref<128x64xf32, #tpu.memory_space<vmem>>) dst(%dma_wait3A_418 : memref<128x64xf32, #tpu.memory_space<hbm>>)
    %dma_start3A_419 = arith.constant 2432 : i32
    %dma_start3A_420 = tpu.memref_slice %arg5[%dma_start3A_419] : memref<3328xi32, #tpu.memory_space<vmem>> -> memref<128xi32, #tpu.memory_space<vmem>>
    %dma_start3A_421 = arith.constant 0 : i32
    %dma_start3A_422 = arith.constant 0 : i32
    %dma_start3A_423 = tpu.memref_slice %arg3[%dma_start3A_421, %dma_start3A_422] : memref<26000x64xf32, #tpu.memory_space<hbm>> -> memref<26000x64xf32, #tpu.memory_space<hbm>>
    tpu.enqueue_indirect_dma source(%dma_start3A_423 : memref<26000x64xf32, #tpu.memory_space<hbm>>) target(%arg7 : memref<128x64xf32, #tpu.memory_space<vmem>>) offsets(%dma_start3A_420 : memref<128xi32, #tpu.memory_space<vmem>>) semaphore(%arg13 : memref<!tpu.dma_semaphore, #tpu.memory_space<semaphore_mem>>)
    %dma_wait3A_424 = arith.constant 1792 : i32
    %dma_wait3A_425 = tpu.memref_slice %arg5[%dma_wait3A_424] : memref<3328xi32, #tpu.memory_space<vmem>> -> memref<128xi32, #tpu.memory_space<vmem>>
    %dma_wait3A_426 = arith.constant 0 : i32
    %dma_wait3A_427 = arith.constant 0 : i32
    %dma_wait3A_428 = tpu.memref_slice %arg3[%dma_wait3A_426, %dma_wait3A_427] : memref<26000x64xf32, #tpu.memory_space<hbm>> -> memref<26000x64xf32, #tpu.memory_space<hbm>>
    tpu.wait_indirect_dma semaphore(%arg14 : memref<!tpu.dma_semaphore, #tpu.memory_space<semaphore_mem>>) src(%dma_wait3A_428 : memref<26000x64xf32, #tpu.memory_space<hbm>>) dst(%arg8 : memref<128x64xf32, #tpu.memory_space<vmem>>)
    %add3A_429 = arith.constant 14 : i32
    %add3A_430 = arith.addi %mul3A_2, %add3A_429 : i32
    %mul3A_431 = arith.constant 128 : i32
    %mul3A_432 = arith.muli %add3A_430, %mul3A_431 : i32
    %multiple_of3A_433 = tpu.assume_multiple %mul3A_432, 128 : i32
    %dma_start3A_434 = arith.constant 0 : i32
    %dma_start3A_435 = tpu.memref_slice %arg4[%multiple_of3A_433, %dma_start3A_434] : memref<106496x64xf32, #tpu.memory_space<hbm>> -> memref<128x64xf32, #tpu.memory_space<hbm>>
    %dma_start3A_436 = arith.constant 0 : i32
    %dma_start3A_437 = tpu.memref_slice %arg4[%multiple_of3A_433, %dma_start3A_436] : memref<106496x64xf32, #tpu.memory_space<hbm>> -> memref<128x64xf32, #tpu.memory_space<hbm>>
    tpu.enqueue_dma source(%arg8 : memref<128x64xf32, #tpu.memory_space<vmem>>) target(%dma_start3A_437 : memref<128x64xf32, #tpu.memory_space<hbm>>) target_semaphore(%arg20 : memref<!tpu.dma_semaphore, #tpu.memory_space<semaphore_mem>>)
    %add3A_438 = arith.constant 14 : i32
    %add3A_439 = arith.addi %mul3A_2, %add3A_438 : i32
    %mul3A_440 = arith.constant 128 : i32
    %mul3A_441 = arith.muli %add3A_439, %mul3A_440 : i32
    %multiple_of3A_442 = tpu.assume_multiple %mul3A_441, 128 : i32
    %dma_wait3A_443 = arith.constant 0 : i32
    %dma_wait3A_444 = tpu.memref_slice %arg4[%multiple_of3A_442, %dma_wait3A_443] : memref<106496x64xf32, #tpu.memory_space<hbm>> -> memref<128x64xf32, #tpu.memory_space<hbm>>
    %dma_wait3A_445 = arith.constant 0 : i32
    %dma_wait3A_446 = tpu.memref_slice %arg4[%multiple_of3A_442, %dma_wait3A_445] : memref<106496x64xf32, #tpu.memory_space<hbm>> -> memref<128x64xf32, #tpu.memory_space<hbm>>
    tpu.wait_dma2 semaphore(%arg20 : memref<!tpu.dma_semaphore, #tpu.memory_space<semaphore_mem>>) src(%arg8 : memref<128x64xf32, #tpu.memory_space<vmem>>) dst(%dma_wait3A_446 : memref<128x64xf32, #tpu.memory_space<hbm>>)
    %dma_start3A_447 = arith.constant 2560 : i32
    %dma_start3A_448 = tpu.memref_slice %arg5[%dma_start3A_447] : memref<3328xi32, #tpu.memory_space<vmem>> -> memref<128xi32, #tpu.memory_space<vmem>>
    %dma_start3A_449 = arith.constant 0 : i32
    %dma_start3A_450 = arith.constant 0 : i32
    %dma_start3A_451 = tpu.memref_slice %arg3[%dma_start3A_449, %dma_start3A_450] : memref<26000x64xf32, #tpu.memory_space<hbm>> -> memref<26000x64xf32, #tpu.memory_space<hbm>>
    tpu.enqueue_indirect_dma source(%dma_start3A_451 : memref<26000x64xf32, #tpu.memory_space<hbm>>) target(%arg8 : memref<128x64xf32, #tpu.memory_space<vmem>>) offsets(%dma_start3A_448 : memref<128xi32, #tpu.memory_space<vmem>>) semaphore(%arg14 : memref<!tpu.dma_semaphore, #tpu.memory_space<semaphore_mem>>)
    %dma_wait3A_452 = arith.constant 1920 : i32
    %dma_wait3A_453 = tpu.memref_slice %arg5[%dma_wait3A_452] : memref<3328xi32, #tpu.memory_space<vmem>> -> memref<128xi32, #tpu.memory_space<vmem>>
    %dma_wait3A_454 = arith.constant 0 : i32
    %dma_wait3A_455 = arith.constant 0 : i32
    %dma_wait3A_456 = tpu.memref_slice %arg3[%dma_wait3A_454, %dma_wait3A_455] : memref<26000x64xf32, #tpu.memory_space<hbm>> -> memref<26000x64xf32, #tpu.memory_space<hbm>>
    tpu.wait_indirect_dma semaphore(%arg15 : memref<!tpu.dma_semaphore, #tpu.memory_space<semaphore_mem>>) src(%dma_wait3A_456 : memref<26000x64xf32, #tpu.memory_space<hbm>>) dst(%arg9 : memref<128x64xf32, #tpu.memory_space<vmem>>)
    %add3A_457 = arith.constant 15 : i32
    %add3A_458 = arith.addi %mul3A_2, %add3A_457 : i32
    %mul3A_459 = arith.constant 128 : i32
    %mul3A_460 = arith.muli %add3A_458, %mul3A_459 : i32
    %multiple_of3A_461 = tpu.assume_multiple %mul3A_460, 128 : i32
    %dma_start3A_462 = arith.constant 0 : i32
    %dma_start3A_463 = tpu.memref_slice %arg4[%multiple_of3A_461, %dma_start3A_462] : memref<106496x64xf32, #tpu.memory_space<hbm>> -> memref<128x64xf32, #tpu.memory_space<hbm>>
    %dma_start3A_464 = arith.constant 0 : i32
    %dma_start3A_465 = tpu.memref_slice %arg4[%multiple_of3A_461, %dma_start3A_464] : memref<106496x64xf32, #tpu.memory_space<hbm>> -> memref<128x64xf32, #tpu.memory_space<hbm>>
    tpu.enqueue_dma source(%arg9 : memref<128x64xf32, #tpu.memory_space<vmem>>) target(%dma_start3A_465 : memref<128x64xf32, #tpu.memory_space<hbm>>) target_semaphore(%arg21 : memref<!tpu.dma_semaphore, #tpu.memory_space<semaphore_mem>>)
    %add3A_466 = arith.constant 15 : i32
    %add3A_467 = arith.addi %mul3A_2, %add3A_466 : i32
    %mul3A_468 = arith.constant 128 : i32
    %mul3A_469 = arith.muli %add3A_467, %mul3A_468 : i32
    %multiple_of3A_470 = tpu.assume_multiple %mul3A_469, 128 : i32
    %dma_wait3A_471 = arith.constant 0 : i32
    %dma_wait3A_472 = tpu.memref_slice %arg4[%multiple_of3A_470, %dma_wait3A_471] : memref<106496x64xf32, #tpu.memory_space<hbm>> -> memref<128x64xf32, #tpu.memory_space<hbm>>
    %dma_wait3A_473 = arith.constant 0 : i32
    %dma_wait3A_474 = tpu.memref_slice %arg4[%multiple_of3A_470, %dma_wait3A_473] : memref<106496x64xf32, #tpu.memory_space<hbm>> -> memref<128x64xf32, #tpu.memory_space<hbm>>
    tpu.wait_dma2 semaphore(%arg21 : memref<!tpu.dma_semaphore, #tpu.memory_space<semaphore_mem>>) src(%arg9 : memref<128x64xf32, #tpu.memory_space<vmem>>) dst(%dma_wait3A_474 : memref<128x64xf32, #tpu.memory_space<hbm>>)
    %dma_start3A_475 = arith.constant 2688 : i32
    %dma_start3A_476 = tpu.memref_slice %arg5[%dma_start3A_475] : memref<3328xi32, #tpu.memory_space<vmem>> -> memref<128xi32, #tpu.memory_space<vmem>>
    %dma_start3A_477 = arith.constant 0 : i32
    %dma_start3A_478 = arith.constant 0 : i32
    %dma_start3A_479 = tpu.memref_slice %arg3[%dma_start3A_477, %dma_start3A_478] : memref<26000x64xf32, #tpu.memory_space<hbm>> -> memref<26000x64xf32, #tpu.memory_space<hbm>>
    tpu.enqueue_indirect_dma source(%dma_start3A_479 : memref<26000x64xf32, #tpu.memory_space<hbm>>) target(%arg9 : memref<128x64xf32, #tpu.memory_space<vmem>>) offsets(%dma_start3A_476 : memref<128xi32, #tpu.memory_space<vmem>>) semaphore(%arg15 : memref<!tpu.dma_semaphore, #tpu.memory_space<semaphore_mem>>)
    %dma_wait3A_480 = arith.constant 2048 : i32
    %dma_wait3A_481 = tpu.memref_slice %arg5[%dma_wait3A_480] : memref<3328xi32, #tpu.memory_space<vmem>> -> memref<128xi32, #tpu.memory_space<vmem>>
    %dma_wait3A_482 = arith.constant 0 : i32
    %dma_wait3A_483 = arith.constant 0 : i32
    %dma_wait3A_484 = tpu.memref_slice %arg3[%dma_wait3A_482, %dma_wait3A_483] : memref<26000x64xf32, #tpu.memory_space<hbm>> -> memref<26000x64xf32, #tpu.memory_space<hbm>>
    tpu.wait_indirect_dma semaphore(%arg16 : memref<!tpu.dma_semaphore, #tpu.memory_space<semaphore_mem>>) src(%dma_wait3A_484 : memref<26000x64xf32, #tpu.memory_space<hbm>>) dst(%arg10 : memref<128x64xf32, #tpu.memory_space<vmem>>)
    %add3A_485 = arith.constant 16 : i32
    %add3A_486 = arith.addi %mul3A_2, %add3A_485 : i32
    %mul3A_487 = arith.constant 128 : i32
    %mul3A_488 = arith.muli %add3A_486, %mul3A_487 : i32
    %multiple_of3A_489 = tpu.assume_multiple %mul3A_488, 128 : i32
    %dma_start3A_490 = arith.constant 0 : i32
    %dma_start3A_491 = tpu.memref_slice %arg4[%multiple_of3A_489, %dma_start3A_490] : memref<106496x64xf32, #tpu.memory_space<hbm>> -> memref<128x64xf32, #tpu.memory_space<hbm>>
    %dma_start3A_492 = arith.constant 0 : i32
    %dma_start3A_493 = tpu.memref_slice %arg4[%multiple_of3A_489, %dma_start3A_492] : memref<106496x64xf32, #tpu.memory_space<hbm>> -> memref<128x64xf32, #tpu.memory_space<hbm>>
    tpu.enqueue_dma source(%arg10 : memref<128x64xf32, #tpu.memory_space<vmem>>) target(%dma_start3A_493 : memref<128x64xf32, #tpu.memory_space<hbm>>) target_semaphore(%arg22 : memref<!tpu.dma_semaphore, #tpu.memory_space<semaphore_mem>>)
    %add3A_494 = arith.constant 16 : i32
    %add3A_495 = arith.addi %mul3A_2, %add3A_494 : i32
    %mul3A_496 = arith.constant 128 : i32
    %mul3A_497 = arith.muli %add3A_495, %mul3A_496 : i32
    %multiple_of3A_498 = tpu.assume_multiple %mul3A_497, 128 : i32
    %dma_wait3A_499 = arith.constant 0 : i32
    %dma_wait3A_500 = tpu.memref_slice %arg4[%multiple_of3A_498, %dma_wait3A_499] : memref<106496x64xf32, #tpu.memory_space<hbm>> -> memref<128x64xf32, #tpu.memory_space<hbm>>
    %dma_wait3A_501 = arith.constant 0 : i32
    %dma_wait3A_502 = tpu.memref_slice %arg4[%multiple_of3A_498, %dma_wait3A_501] : memref<106496x64xf32, #tpu.memory_space<hbm>> -> memref<128x64xf32, #tpu.memory_space<hbm>>
    tpu.wait_dma2 semaphore(%arg22 : memref<!tpu.dma_semaphore, #tpu.memory_space<semaphore_mem>>) src(%arg10 : memref<128x64xf32, #tpu.memory_space<vmem>>) dst(%dma_wait3A_502 : memref<128x64xf32, #tpu.memory_space<hbm>>)
    %dma_start3A_503 = arith.constant 2816 : i32
    %dma_start3A_504 = tpu.memref_slice %arg5[%dma_start3A_503] : memref<3328xi32, #tpu.memory_space<vmem>> -> memref<128xi32, #tpu.memory_space<vmem>>
    %dma_start3A_505 = arith.constant 0 : i32
    %dma_start3A_506 = arith.constant 0 : i32
    %dma_start3A_507 = tpu.memref_slice %arg3[%dma_start3A_505, %dma_start3A_506] : memref<26000x64xf32, #tpu.memory_space<hbm>> -> memref<26000x64xf32, #tpu.memory_space<hbm>>
    tpu.enqueue_indirect_dma source(%dma_start3A_507 : memref<26000x64xf32, #tpu.memory_space<hbm>>) target(%arg10 : memref<128x64xf32, #tpu.memory_space<vmem>>) offsets(%dma_start3A_504 : memref<128xi32, #tpu.memory_space<vmem>>) semaphore(%arg16 : memref<!tpu.dma_semaphore, #tpu.memory_space<semaphore_mem>>)
    %dma_wait3A_508 = arith.constant 2176 : i32
    %dma_wait3A_509 = tpu.memref_slice %arg5[%dma_wait3A_508] : memref<3328xi32, #tpu.memory_space<vmem>> -> memref<128xi32, #tpu.memory_space<vmem>>
    %dma_wait3A_510 = arith.constant 0 : i32
    %dma_wait3A_511 = arith.constant 0 : i32
    %dma_wait3A_512 = tpu.memref_slice %arg3[%dma_wait3A_510, %dma_wait3A_511] : memref<26000x64xf32, #tpu.memory_space<hbm>> -> memref<26000x64xf32, #tpu.memory_space<hbm>>
    tpu.wait_indirect_dma semaphore(%arg17 : memref<!tpu.dma_semaphore, #tpu.memory_space<semaphore_mem>>) src(%dma_wait3A_512 : memref<26000x64xf32, #tpu.memory_space<hbm>>) dst(%arg11 : memref<128x64xf32, #tpu.memory_space<vmem>>)
    %add3A_513 = arith.constant 17 : i32
    %add3A_514 = arith.addi %mul3A_2, %add3A_513 : i32
    %mul3A_515 = arith.constant 128 : i32
    %mul3A_516 = arith.muli %add3A_514, %mul3A_515 : i32
    %multiple_of3A_517 = tpu.assume_multiple %mul3A_516, 128 : i32
    %dma_start3A_518 = arith.constant 0 : i32
    %dma_start3A_519 = tpu.memref_slice %arg4[%multiple_of3A_517, %dma_start3A_518] : memref<106496x64xf32, #tpu.memory_space<hbm>> -> memref<128x64xf32, #tpu.memory_space<hbm>>
    %dma_start3A_520 = arith.constant 0 : i32
    %dma_start3A_521 = tpu.memref_slice %arg4[%multiple_of3A_517, %dma_start3A_520] : memref<106496x64xf32, #tpu.memory_space<hbm>> -> memref<128x64xf32, #tpu.memory_space<hbm>>
    tpu.enqueue_dma source(%arg11 : memref<128x64xf32, #tpu.memory_space<vmem>>) target(%dma_start3A_521 : memref<128x64xf32, #tpu.memory_space<hbm>>) target_semaphore(%arg23 : memref<!tpu.dma_semaphore, #tpu.memory_space<semaphore_mem>>)
    %add3A_522 = arith.constant 17 : i32
    %add3A_523 = arith.addi %mul3A_2, %add3A_522 : i32
    %mul3A_524 = arith.constant 128 : i32
    %mul3A_525 = arith.muli %add3A_523, %mul3A_524 : i32
    %multiple_of3A_526 = tpu.assume_multiple %mul3A_525, 128 : i32
    %dma_wait3A_527 = arith.constant 0 : i32
    %dma_wait3A_528 = tpu.memref_slice %arg4[%multiple_of3A_526, %dma_wait3A_527] : memref<106496x64xf32, #tpu.memory_space<hbm>> -> memref<128x64xf32, #tpu.memory_space<hbm>>
    %dma_wait3A_529 = arith.constant 0 : i32
    %dma_wait3A_530 = tpu.memref_slice %arg4[%multiple_of3A_526, %dma_wait3A_529] : memref<106496x64xf32, #tpu.memory_space<hbm>> -> memref<128x64xf32, #tpu.memory_space<hbm>>
    tpu.wait_dma2 semaphore(%arg23 : memref<!tpu.dma_semaphore, #tpu.memory_space<semaphore_mem>>) src(%arg11 : memref<128x64xf32, #tpu.memory_space<vmem>>) dst(%dma_wait3A_530 : memref<128x64xf32, #tpu.memory_space<hbm>>)
    %dma_start3A_531 = arith.constant 2944 : i32
    %dma_start3A_532 = tpu.memref_slice %arg5[%dma_start3A_531] : memref<3328xi32, #tpu.memory_space<vmem>> -> memref<128xi32, #tpu.memory_space<vmem>>
    %dma_start3A_533 = arith.constant 0 : i32
    %dma_start3A_534 = arith.constant 0 : i32
    %dma_start3A_535 = tpu.memref_slice %arg3[%dma_start3A_533, %dma_start3A_534] : memref<26000x64xf32, #tpu.memory_space<hbm>> -> memref<26000x64xf32, #tpu.memory_space<hbm>>
    tpu.enqueue_indirect_dma source(%dma_start3A_535 : memref<26000x64xf32, #tpu.memory_space<hbm>>) target(%arg11 : memref<128x64xf32, #tpu.memory_space<vmem>>) offsets(%dma_start3A_532 : memref<128xi32, #tpu.memory_space<vmem>>) semaphore(%arg17 : memref<!tpu.dma_semaphore, #tpu.memory_space<semaphore_mem>>)
    %dma_wait3A_536 = arith.constant 2304 : i32
    %dma_wait3A_537 = tpu.memref_slice %arg5[%dma_wait3A_536] : memref<3328xi32, #tpu.memory_space<vmem>> -> memref<128xi32, #tpu.memory_space<vmem>>
    %dma_wait3A_538 = arith.constant 0 : i32
    %dma_wait3A_539 = arith.constant 0 : i32
    %dma_wait3A_540 = tpu.memref_slice %arg3[%dma_wait3A_538, %dma_wait3A_539] : memref<26000x64xf32, #tpu.memory_space<hbm>> -> memref<26000x64xf32, #tpu.memory_space<hbm>>
    tpu.wait_indirect_dma semaphore(%arg12 : memref<!tpu.dma_semaphore, #tpu.memory_space<semaphore_mem>>) src(%dma_wait3A_540 : memref<26000x64xf32, #tpu.memory_space<hbm>>) dst(%arg6 : memref<128x64xf32, #tpu.memory_space<vmem>>)
    %add3A_541 = arith.constant 18 : i32
    %add3A_542 = arith.addi %mul3A_2, %add3A_541 : i32
    %mul3A_543 = arith.constant 128 : i32
    %mul3A_544 = arith.muli %add3A_542, %mul3A_543 : i32
    %multiple_of3A_545 = tpu.assume_multiple %mul3A_544, 128 : i32
    %dma_start3A_546 = arith.constant 0 : i32
    %dma_start3A_547 = tpu.memref_slice %arg4[%multiple_of3A_545, %dma_start3A_546] : memref<106496x64xf32, #tpu.memory_space<hbm>> -> memref<128x64xf32, #tpu.memory_space<hbm>>
    %dma_start3A_548 = arith.constant 0 : i32
    %dma_start3A_549 = tpu.memref_slice %arg4[%multiple_of3A_545, %dma_start3A_548] : memref<106496x64xf32, #tpu.memory_space<hbm>> -> memref<128x64xf32, #tpu.memory_space<hbm>>
    tpu.enqueue_dma source(%arg6 : memref<128x64xf32, #tpu.memory_space<vmem>>) target(%dma_start3A_549 : memref<128x64xf32, #tpu.memory_space<hbm>>) target_semaphore(%arg18 : memref<!tpu.dma_semaphore, #tpu.memory_space<semaphore_mem>>)
    %add3A_550 = arith.constant 18 : i32
    %add3A_551 = arith.addi %mul3A_2, %add3A_550 : i32
    %mul3A_552 = arith.constant 128 : i32
    %mul3A_553 = arith.muli %add3A_551, %mul3A_552 : i32
    %multiple_of3A_554 = tpu.assume_multiple %mul3A_553, 128 : i32
    %dma_wait3A_555 = arith.constant 0 : i32
    %dma_wait3A_556 = tpu.memref_slice %arg4[%multiple_of3A_554, %dma_wait3A_555] : memref<106496x64xf32, #tpu.memory_space<hbm>> -> memref<128x64xf32, #tpu.memory_space<hbm>>
    %dma_wait3A_557 = arith.constant 0 : i32
    %dma_wait3A_558 = tpu.memref_slice %arg4[%multiple_of3A_554, %dma_wait3A_557] : memref<106496x64xf32, #tpu.memory_space<hbm>> -> memref<128x64xf32, #tpu.memory_space<hbm>>
    tpu.wait_dma2 semaphore(%arg18 : memref<!tpu.dma_semaphore, #tpu.memory_space<semaphore_mem>>) src(%arg6 : memref<128x64xf32, #tpu.memory_space<vmem>>) dst(%dma_wait3A_558 : memref<128x64xf32, #tpu.memory_space<hbm>>)
    %dma_start3A_559 = arith.constant 3072 : i32
    %dma_start3A_560 = tpu.memref_slice %arg5[%dma_start3A_559] : memref<3328xi32, #tpu.memory_space<vmem>> -> memref<128xi32, #tpu.memory_space<vmem>>
    %dma_start3A_561 = arith.constant 0 : i32
    %dma_start3A_562 = arith.constant 0 : i32
    %dma_start3A_563 = tpu.memref_slice %arg3[%dma_start3A_561, %dma_start3A_562] : memref<26000x64xf32, #tpu.memory_space<hbm>> -> memref<26000x64xf32, #tpu.memory_space<hbm>>
    tpu.enqueue_indirect_dma source(%dma_start3A_563 : memref<26000x64xf32, #tpu.memory_space<hbm>>) target(%arg6 : memref<128x64xf32, #tpu.memory_space<vmem>>) offsets(%dma_start3A_560 : memref<128xi32, #tpu.memory_space<vmem>>) semaphore(%arg12 : memref<!tpu.dma_semaphore, #tpu.memory_space<semaphore_mem>>)
    %dma_wait3A_564 = arith.constant 2432 : i32
    %dma_wait3A_565 = tpu.memref_slice %arg5[%dma_wait3A_564] : memref<3328xi32, #tpu.memory_space<vmem>> -> memref<128xi32, #tpu.memory_space<vmem>>
    %dma_wait3A_566 = arith.constant 0 : i32
    %dma_wait3A_567 = arith.constant 0 : i32
    %dma_wait3A_568 = tpu.memref_slice %arg3[%dma_wait3A_566, %dma_wait3A_567] : memref<26000x64xf32, #tpu.memory_space<hbm>> -> memref<26000x64xf32, #tpu.memory_space<hbm>>
    tpu.wait_indirect_dma semaphore(%arg13 : memref<!tpu.dma_semaphore, #tpu.memory_space<semaphore_mem>>) src(%dma_wait3A_568 : memref<26000x64xf32, #tpu.memory_space<hbm>>) dst(%arg7 : memref<128x64xf32, #tpu.memory_space<vmem>>)
    %add3A_569 = arith.constant 19 : i32
    %add3A_570 = arith.addi %mul3A_2, %add3A_569 : i32
    %mul3A_571 = arith.constant 128 : i32
    %mul3A_572 = arith.muli %add3A_570, %mul3A_571 : i32
    %multiple_of3A_573 = tpu.assume_multiple %mul3A_572, 128 : i32
    %dma_start3A_574 = arith.constant 0 : i32
    %dma_start3A_575 = tpu.memref_slice %arg4[%multiple_of3A_573, %dma_start3A_574] : memref<106496x64xf32, #tpu.memory_space<hbm>> -> memref<128x64xf32, #tpu.memory_space<hbm>>
    %dma_start3A_576 = arith.constant 0 : i32
    %dma_start3A_577 = tpu.memref_slice %arg4[%multiple_of3A_573, %dma_start3A_576] : memref<106496x64xf32, #tpu.memory_space<hbm>> -> memref<128x64xf32, #tpu.memory_space<hbm>>
    tpu.enqueue_dma source(%arg7 : memref<128x64xf32, #tpu.memory_space<vmem>>) target(%dma_start3A_577 : memref<128x64xf32, #tpu.memory_space<hbm>>) target_semaphore(%arg19 : memref<!tpu.dma_semaphore, #tpu.memory_space<semaphore_mem>>)
    %add3A_578 = arith.constant 19 : i32
    %add3A_579 = arith.addi %mul3A_2, %add3A_578 : i32
    %mul3A_580 = arith.constant 128 : i32
    %mul3A_581 = arith.muli %add3A_579, %mul3A_580 : i32
    %multiple_of3A_582 = tpu.assume_multiple %mul3A_581, 128 : i32
    %dma_wait3A_583 = arith.constant 0 : i32
    %dma_wait3A_584 = tpu.memref_slice %arg4[%multiple_of3A_582, %dma_wait3A_583] : memref<106496x64xf32, #tpu.memory_space<hbm>> -> memref<128x64xf32, #tpu.memory_space<hbm>>
    %dma_wait3A_585 = arith.constant 0 : i32
    %dma_wait3A_586 = tpu.memref_slice %arg4[%multiple_of3A_582, %dma_wait3A_585] : memref<106496x64xf32, #tpu.memory_space<hbm>> -> memref<128x64xf32, #tpu.memory_space<hbm>>
    tpu.wait_dma2 semaphore(%arg19 : memref<!tpu.dma_semaphore, #tpu.memory_space<semaphore_mem>>) src(%arg7 : memref<128x64xf32, #tpu.memory_space<vmem>>) dst(%dma_wait3A_586 : memref<128x64xf32, #tpu.memory_space<hbm>>)
    %dma_start3A_587 = arith.constant 3200 : i32
    %dma_start3A_588 = tpu.memref_slice %arg5[%dma_start3A_587] : memref<3328xi32, #tpu.memory_space<vmem>> -> memref<128xi32, #tpu.memory_space<vmem>>
    %dma_start3A_589 = arith.constant 0 : i32
    %dma_start3A_590 = arith.constant 0 : i32
    %dma_start3A_591 = tpu.memref_slice %arg3[%dma_start3A_589, %dma_start3A_590] : memref<26000x64xf32, #tpu.memory_space<hbm>> -> memref<26000x64xf32, #tpu.memory_space<hbm>>
    tpu.enqueue_indirect_dma source(%dma_start3A_591 : memref<26000x64xf32, #tpu.memory_space<hbm>>) target(%arg7 : memref<128x64xf32, #tpu.memory_space<vmem>>) offsets(%dma_start3A_588 : memref<128xi32, #tpu.memory_space<vmem>>) semaphore(%arg13 : memref<!tpu.dma_semaphore, #tpu.memory_space<semaphore_mem>>)
    %dma_wait3A_592 = arith.constant 2560 : i32
    %dma_wait3A_593 = tpu.memref_slice %arg5[%dma_wait3A_592] : memref<3328xi32, #tpu.memory_space<vmem>> -> memref<128xi32, #tpu.memory_space<vmem>>
    %dma_wait3A_594 = arith.constant 0 : i32
    %dma_wait3A_595 = arith.constant 0 : i32
    %dma_wait3A_596 = tpu.memref_slice %arg3[%dma_wait3A_594, %dma_wait3A_595] : memref<26000x64xf32, #tpu.memory_space<hbm>> -> memref<26000x64xf32, #tpu.memory_space<hbm>>
    tpu.wait_indirect_dma semaphore(%arg14 : memref<!tpu.dma_semaphore, #tpu.memory_space<semaphore_mem>>) src(%dma_wait3A_596 : memref<26000x64xf32, #tpu.memory_space<hbm>>) dst(%arg8 : memref<128x64xf32, #tpu.memory_space<vmem>>)
    %add3A_597 = arith.constant 20 : i32
    %add3A_598 = arith.addi %mul3A_2, %add3A_597 : i32
    %mul3A_599 = arith.constant 128 : i32
    %mul3A_600 = arith.muli %add3A_598, %mul3A_599 : i32
    %multiple_of3A_601 = tpu.assume_multiple %mul3A_600, 128 : i32
    %dma_start3A_602 = arith.constant 0 : i32
    %dma_start3A_603 = tpu.memref_slice %arg4[%multiple_of3A_601, %dma_start3A_602] : memref<106496x64xf32, #tpu.memory_space<hbm>> -> memref<128x64xf32, #tpu.memory_space<hbm>>
    %dma_start3A_604 = arith.constant 0 : i32
    %dma_start3A_605 = tpu.memref_slice %arg4[%multiple_of3A_601, %dma_start3A_604] : memref<106496x64xf32, #tpu.memory_space<hbm>> -> memref<128x64xf32, #tpu.memory_space<hbm>>
    tpu.enqueue_dma source(%arg8 : memref<128x64xf32, #tpu.memory_space<vmem>>) target(%dma_start3A_605 : memref<128x64xf32, #tpu.memory_space<hbm>>) target_semaphore(%arg20 : memref<!tpu.dma_semaphore, #tpu.memory_space<semaphore_mem>>)
    %dma_wait3A_606 = arith.constant 2688 : i32
    %dma_wait3A_607 = tpu.memref_slice %arg5[%dma_wait3A_606] : memref<3328xi32, #tpu.memory_space<vmem>> -> memref<128xi32, #tpu.memory_space<vmem>>
    %dma_wait3A_608 = arith.constant 0 : i32
    %dma_wait3A_609 = arith.constant 0 : i32
    %dma_wait3A_610 = tpu.memref_slice %arg3[%dma_wait3A_608, %dma_wait3A_609] : memref<26000x64xf32, #tpu.memory_space<hbm>> -> memref<26000x64xf32, #tpu.memory_space<hbm>>
    tpu.wait_indirect_dma semaphore(%arg15 : memref<!tpu.dma_semaphore, #tpu.memory_space<semaphore_mem>>) src(%dma_wait3A_610 : memref<26000x64xf32, #tpu.memory_space<hbm>>) dst(%arg9 : memref<128x64xf32, #tpu.memory_space<vmem>>)
    %add3A_611 = arith.constant 21 : i32
    %add3A_612 = arith.addi %mul3A_2, %add3A_611 : i32
    %mul3A_613 = arith.constant 128 : i32
    %mul3A_614 = arith.muli %add3A_612, %mul3A_613 : i32
    %multiple_of3A_615 = tpu.assume_multiple %mul3A_614, 128 : i32
    %dma_start3A_616 = arith.constant 0 : i32
    %dma_start3A_617 = tpu.memref_slice %arg4[%multiple_of3A_615, %dma_start3A_616] : memref<106496x64xf32, #tpu.memory_space<hbm>> -> memref<128x64xf32, #tpu.memory_space<hbm>>
    %dma_start3A_618 = arith.constant 0 : i32
    %dma_start3A_619 = tpu.memref_slice %arg4[%multiple_of3A_615, %dma_start3A_618] : memref<106496x64xf32, #tpu.memory_space<hbm>> -> memref<128x64xf32, #tpu.memory_space<hbm>>
    tpu.enqueue_dma source(%arg9 : memref<128x64xf32, #tpu.memory_space<vmem>>) target(%dma_start3A_619 : memref<128x64xf32, #tpu.memory_space<hbm>>) target_semaphore(%arg21 : memref<!tpu.dma_semaphore, #tpu.memory_space<semaphore_mem>>)
    %dma_wait3A_620 = arith.constant 2816 : i32
    %dma_wait3A_621 = tpu.memref_slice %arg5[%dma_wait3A_620] : memref<3328xi32, #tpu.memory_space<vmem>> -> memref<128xi32, #tpu.memory_space<vmem>>
    %dma_wait3A_622 = arith.constant 0 : i32
    %dma_wait3A_623 = arith.constant 0 : i32
    %dma_wait3A_624 = tpu.memref_slice %arg3[%dma_wait3A_622, %dma_wait3A_623] : memref<26000x64xf32, #tpu.memory_space<hbm>> -> memref<26000x64xf32, #tpu.memory_space<hbm>>
    tpu.wait_indirect_dma semaphore(%arg16 : memref<!tpu.dma_semaphore, #tpu.memory_space<semaphore_mem>>) src(%dma_wait3A_624 : memref<26000x64xf32, #tpu.memory_space<hbm>>) dst(%arg10 : memref<128x64xf32, #tpu.memory_space<vmem>>)
    %add3A_625 = arith.constant 22 : i32
    %add3A_626 = arith.addi %mul3A_2, %add3A_625 : i32
    %mul3A_627 = arith.constant 128 : i32
    %mul3A_628 = arith.muli %add3A_626, %mul3A_627 : i32
    %multiple_of3A_629 = tpu.assume_multiple %mul3A_628, 128 : i32
    %dma_start3A_630 = arith.constant 0 : i32
    %dma_start3A_631 = tpu.memref_slice %arg4[%multiple_of3A_629, %dma_start3A_630] : memref<106496x64xf32, #tpu.memory_space<hbm>> -> memref<128x64xf32, #tpu.memory_space<hbm>>
    %dma_start3A_632 = arith.constant 0 : i32
    %dma_start3A_633 = tpu.memref_slice %arg4[%multiple_of3A_629, %dma_start3A_632] : memref<106496x64xf32, #tpu.memory_space<hbm>> -> memref<128x64xf32, #tpu.memory_space<hbm>>
    tpu.enqueue_dma source(%arg10 : memref<128x64xf32, #tpu.memory_space<vmem>>) target(%dma_start3A_633 : memref<128x64xf32, #tpu.memory_space<hbm>>) target_semaphore(%arg22 : memref<!tpu.dma_semaphore, #tpu.memory_space<semaphore_mem>>)
    %dma_wait3A_634 = arith.constant 2944 : i32
    %dma_wait3A_635 = tpu.memref_slice %arg5[%dma_wait3A_634] : memref<3328xi32, #tpu.memory_space<vmem>> -> memref<128xi32, #tpu.memory_space<vmem>>
    %dma_wait3A_636 = arith.constant 0 : i32
    %dma_wait3A_637 = arith.constant 0 : i32
    %dma_wait3A_638 = tpu.memref_slice %arg3[%dma_wait3A_636, %dma_wait3A_637] : memref<26000x64xf32, #tpu.memory_space<hbm>> -> memref<26000x64xf32, #tpu.memory_space<hbm>>
    tpu.wait_indirect_dma semaphore(%arg17 : memref<!tpu.dma_semaphore, #tpu.memory_space<semaphore_mem>>) src(%dma_wait3A_638 : memref<26000x64xf32, #tpu.memory_space<hbm>>) dst(%arg11 : memref<128x64xf32, #tpu.memory_space<vmem>>)
    %add3A_639 = arith.constant 23 : i32
    %add3A_640 = arith.addi %mul3A_2, %add3A_639 : i32
    %mul3A_641 = arith.constant 128 : i32
    %mul3A_642 = arith.muli %add3A_640, %mul3A_641 : i32
    %multiple_of3A_643 = tpu.assume_multiple %mul3A_642, 128 : i32
    %dma_start3A_644 = arith.constant 0 : i32
    %dma_start3A_645 = tpu.memref_slice %arg4[%multiple_of3A_643, %dma_start3A_644] : memref<106496x64xf32, #tpu.memory_space<hbm>> -> memref<128x64xf32, #tpu.memory_space<hbm>>
    %dma_start3A_646 = arith.constant 0 : i32
    %dma_start3A_647 = tpu.memref_slice %arg4[%multiple_of3A_643, %dma_start3A_646] : memref<106496x64xf32, #tpu.memory_space<hbm>> -> memref<128x64xf32, #tpu.memory_space<hbm>>
    tpu.enqueue_dma source(%arg11 : memref<128x64xf32, #tpu.memory_space<vmem>>) target(%dma_start3A_647 : memref<128x64xf32, #tpu.memory_space<hbm>>) target_semaphore(%arg23 : memref<!tpu.dma_semaphore, #tpu.memory_space<semaphore_mem>>)
    %dma_wait3A_648 = arith.constant 3072 : i32
    %dma_wait3A_649 = tpu.memref_slice %arg5[%dma_wait3A_648] : memref<3328xi32, #tpu.memory_space<vmem>> -> memref<128xi32, #tpu.memory_space<vmem>>
    %dma_wait3A_650 = arith.constant 0 : i32
    %dma_wait3A_651 = arith.constant 0 : i32
    %dma_wait3A_652 = tpu.memref_slice %arg3[%dma_wait3A_650, %dma_wait3A_651] : memref<26000x64xf32, #tpu.memory_space<hbm>> -> memref<26000x64xf32, #tpu.memory_space<hbm>>
    tpu.wait_indirect_dma semaphore(%arg12 : memref<!tpu.dma_semaphore, #tpu.memory_space<semaphore_mem>>) src(%dma_wait3A_652 : memref<26000x64xf32, #tpu.memory_space<hbm>>) dst(%arg6 : memref<128x64xf32, #tpu.memory_space<vmem>>)
    %add3A_653 = arith.constant 24 : i32
    %add3A_654 = arith.addi %mul3A_2, %add3A_653 : i32
    %mul3A_655 = arith.constant 128 : i32
    %mul3A_656 = arith.muli %add3A_654, %mul3A_655 : i32
    %multiple_of3A_657 = tpu.assume_multiple %mul3A_656, 128 : i32
    %dma_start3A_658 = arith.constant 0 : i32
    %dma_start3A_659 = tpu.memref_slice %arg4[%multiple_of3A_657, %dma_start3A_658] : memref<106496x64xf32, #tpu.memory_space<hbm>> -> memref<128x64xf32, #tpu.memory_space<hbm>>
    %dma_start3A_660 = arith.constant 0 : i32
    %dma_start3A_661 = tpu.memref_slice %arg4[%multiple_of3A_657, %dma_start3A_660] : memref<106496x64xf32, #tpu.memory_space<hbm>> -> memref<128x64xf32, #tpu.memory_space<hbm>>
    tpu.enqueue_dma source(%arg6 : memref<128x64xf32, #tpu.memory_space<vmem>>) target(%dma_start3A_661 : memref<128x64xf32, #tpu.memory_space<hbm>>) target_semaphore(%arg18 : memref<!tpu.dma_semaphore, #tpu.memory_space<semaphore_mem>>)
    %dma_wait3A_662 = arith.constant 3200 : i32
    %dma_wait3A_663 = tpu.memref_slice %arg5[%dma_wait3A_662] : memref<3328xi32, #tpu.memory_space<vmem>> -> memref<128xi32, #tpu.memory_space<vmem>>
    %dma_wait3A_664 = arith.constant 0 : i32
    %dma_wait3A_665 = arith.constant 0 : i32
    %dma_wait3A_666 = tpu.memref_slice %arg3[%dma_wait3A_664, %dma_wait3A_665] : memref<26000x64xf32, #tpu.memory_space<hbm>> -> memref<26000x64xf32, #tpu.memory_space<hbm>>
    tpu.wait_indirect_dma semaphore(%arg13 : memref<!tpu.dma_semaphore, #tpu.memory_space<semaphore_mem>>) src(%dma_wait3A_666 : memref<26000x64xf32, #tpu.memory_space<hbm>>) dst(%arg7 : memref<128x64xf32, #tpu.memory_space<vmem>>)
    %add3A_667 = arith.constant 25 : i32
    %add3A_668 = arith.addi %mul3A_2, %add3A_667 : i32
    %mul3A_669 = arith.constant 128 : i32
    %mul3A_670 = arith.muli %add3A_668, %mul3A_669 : i32
    %multiple_of3A_671 = tpu.assume_multiple %mul3A_670, 128 : i32
    %dma_start3A_672 = arith.constant 0 : i32
    %dma_start3A_673 = tpu.memref_slice %arg4[%multiple_of3A_671, %dma_start3A_672] : memref<106496x64xf32, #tpu.memory_space<hbm>> -> memref<128x64xf32, #tpu.memory_space<hbm>>
    %dma_start3A_674 = arith.constant 0 : i32
    %dma_start3A_675 = tpu.memref_slice %arg4[%multiple_of3A_671, %dma_start3A_674] : memref<106496x64xf32, #tpu.memory_space<hbm>> -> memref<128x64xf32, #tpu.memory_space<hbm>>
    tpu.enqueue_dma source(%arg7 : memref<128x64xf32, #tpu.memory_space<vmem>>) target(%dma_start3A_675 : memref<128x64xf32, #tpu.memory_space<hbm>>) target_semaphore(%arg19 : memref<!tpu.dma_semaphore, #tpu.memory_space<semaphore_mem>>)
    %add3A_676 = arith.constant 20 : i32
    %add3A_677 = arith.addi %mul3A_2, %add3A_676 : i32
    %mul3A_678 = arith.constant 128 : i32
    %mul3A_679 = arith.muli %add3A_677, %mul3A_678 : i32
    %multiple_of3A_680 = tpu.assume_multiple %mul3A_679, 128 : i32
    %dma_wait3A_681 = arith.constant 0 : i32
    %dma_wait3A_682 = tpu.memref_slice %arg4[%multiple_of3A_680, %dma_wait3A_681] : memref<106496x64xf32, #tpu.memory_space<hbm>> -> memref<128x64xf32, #tpu.memory_space<hbm>>
    %dma_wait3A_683 = arith.constant 0 : i32
    %dma_wait3A_684 = tpu.memref_slice %arg4[%multiple_of3A_680, %dma_wait3A_683] : memref<106496x64xf32, #tpu.memory_space<hbm>> -> memref<128x64xf32, #tpu.memory_space<hbm>>
    tpu.wait_dma2 semaphore(%arg20 : memref<!tpu.dma_semaphore, #tpu.memory_space<semaphore_mem>>) src(%arg8 : memref<128x64xf32, #tpu.memory_space<vmem>>) dst(%dma_wait3A_684 : memref<128x64xf32, #tpu.memory_space<hbm>>)
    %add3A_685 = arith.constant 21 : i32
    %add3A_686 = arith.addi %mul3A_2, %add3A_685 : i32
    %mul3A_687 = arith.constant 128 : i32
    %mul3A_688 = arith.muli %add3A_686, %mul3A_687 : i32
    %multiple_of3A_689 = tpu.assume_multiple %mul3A_688, 128 : i32
    %dma_wait3A_690 = arith.constant 0 : i32
    %dma_wait3A_691 = tpu.memref_slice %arg4[%multiple_of3A_689, %dma_wait3A_690] : memref<106496x64xf32, #tpu.memory_space<hbm>> -> memref<128x64xf32, #tpu.memory_space<hbm>>
    %dma_wait3A_692 = arith.constant 0 : i32
    %dma_wait3A_693 = tpu.memref_slice %arg4[%multiple_of3A_689, %dma_wait3A_692] : memref<106496x64xf32, #tpu.memory_space<hbm>> -> memref<128x64xf32, #tpu.memory_space<hbm>>
    tpu.wait_dma2 semaphore(%arg21 : memref<!tpu.dma_semaphore, #tpu.memory_space<semaphore_mem>>) src(%arg9 : memref<128x64xf32, #tpu.memory_space<vmem>>) dst(%dma_wait3A_693 : memref<128x64xf32, #tpu.memory_space<hbm>>)
    %add3A_694 = arith.constant 22 : i32
    %add3A_695 = arith.addi %mul3A_2, %add3A_694 : i32
    %mul3A_696 = arith.constant 128 : i32
    %mul3A_697 = arith.muli %add3A_695, %mul3A_696 : i32
    %multiple_of3A_698 = tpu.assume_multiple %mul3A_697, 128 : i32
    %dma_wait3A_699 = arith.constant 0 : i32
    %dma_wait3A_700 = tpu.memref_slice %arg4[%multiple_of3A_698, %dma_wait3A_699] : memref<106496x64xf32, #tpu.memory_space<hbm>> -> memref<128x64xf32, #tpu.memory_space<hbm>>
    %dma_wait3A_701 = arith.constant 0 : i32
    %dma_wait3A_702 = tpu.memref_slice %arg4[%multiple_of3A_698, %dma_wait3A_701] : memref<106496x64xf32, #tpu.memory_space<hbm>> -> memref<128x64xf32, #tpu.memory_space<hbm>>
    tpu.wait_dma2 semaphore(%arg22 : memref<!tpu.dma_semaphore, #tpu.memory_space<semaphore_mem>>) src(%arg10 : memref<128x64xf32, #tpu.memory_space<vmem>>) dst(%dma_wait3A_702 : memref<128x64xf32, #tpu.memory_space<hbm>>)
    %add3A_703 = arith.constant 23 : i32
    %add3A_704 = arith.addi %mul3A_2, %add3A_703 : i32
    %mul3A_705 = arith.constant 128 : i32
    %mul3A_706 = arith.muli %add3A_704, %mul3A_705 : i32
    %multiple_of3A_707 = tpu.assume_multiple %mul3A_706, 128 : i32
    %dma_wait3A_708 = arith.constant 0 : i32
    %dma_wait3A_709 = tpu.memref_slice %arg4[%multiple_of3A_707, %dma_wait3A_708] : memref<106496x64xf32, #tpu.memory_space<hbm>> -> memref<128x64xf32, #tpu.memory_space<hbm>>
    %dma_wait3A_710 = arith.constant 0 : i32
    %dma_wait3A_711 = tpu.memref_slice %arg4[%multiple_of3A_707, %dma_wait3A_710] : memref<106496x64xf32, #tpu.memory_space<hbm>> -> memref<128x64xf32, #tpu.memory_space<hbm>>
    tpu.wait_dma2 semaphore(%arg23 : memref<!tpu.dma_semaphore, #tpu.memory_space<semaphore_mem>>) src(%arg11 : memref<128x64xf32, #tpu.memory_space<vmem>>) dst(%dma_wait3A_711 : memref<128x64xf32, #tpu.memory_space<hbm>>)
    %add3A_712 = arith.constant 24 : i32
    %add3A_713 = arith.addi %mul3A_2, %add3A_712 : i32
    %mul3A_714 = arith.constant 128 : i32
    %mul3A_715 = arith.muli %add3A_713, %mul3A_714 : i32
    %multiple_of3A_716 = tpu.assume_multiple %mul3A_715, 128 : i32
    %dma_wait3A_717 = arith.constant 0 : i32
    %dma_wait3A_718 = tpu.memref_slice %arg4[%multiple_of3A_716, %dma_wait3A_717] : memref<106496x64xf32, #tpu.memory_space<hbm>> -> memref<128x64xf32, #tpu.memory_space<hbm>>
    %dma_wait3A_719 = arith.constant 0 : i32
    %dma_wait3A_720 = tpu.memref_slice %arg4[%multiple_of3A_716, %dma_wait3A_719] : memref<106496x64xf32, #tpu.memory_space<hbm>> -> memref<128x64xf32, #tpu.memory_space<hbm>>
    tpu.wait_dma2 semaphore(%arg18 : memref<!tpu.dma_semaphore, #tpu.memory_space<semaphore_mem>>) src(%arg6 : memref<128x64xf32, #tpu.memory_space<vmem>>) dst(%dma_wait3A_720 : memref<128x64xf32, #tpu.memory_space<hbm>>)
    %add3A_721 = arith.constant 25 : i32
    %add3A_722 = arith.addi %mul3A_2, %add3A_721 : i32
    %mul3A_723 = arith.constant 128 : i32
    %mul3A_724 = arith.muli %add3A_722, %mul3A_723 : i32
    %multiple_of3A_725 = tpu.assume_multiple %mul3A_724, 128 : i32
    %dma_wait3A_726 = arith.constant 0 : i32
    %dma_wait3A_727 = tpu.memref_slice %arg4[%multiple_of3A_725, %dma_wait3A_726] : memref<106496x64xf32, #tpu.memory_space<hbm>> -> memref<128x64xf32, #tpu.memory_space<hbm>>
    %dma_wait3A_728 = arith.constant 0 : i32
    %dma_wait3A_729 = tpu.memref_slice %arg4[%multiple_of3A_725, %dma_wait3A_728] : memref<106496x64xf32, #tpu.memory_space<hbm>> -> memref<128x64xf32, #tpu.memory_space<hbm>>
    tpu.wait_dma2 semaphore(%arg19 : memref<!tpu.dma_semaphore, #tpu.memory_space<semaphore_mem>>) src(%arg7 : memref<128x64xf32, #tpu.memory_space<vmem>>) dst(%dma_wait3A_729 : memref<128x64xf32, #tpu.memory_space<hbm>>)
    return
  }
}

module attributes {stable_mosaic.version = 14 : i64} {
  func.func @_mlp_body(%arg0: i32, %arg1: memref<1024x1664xf32, #tpu.memory_space<vmem>>, %arg2: memref<1664x512xf32, #tpu.memory_space<vmem>>, %arg3: memref<1x512xf32, #tpu.memory_space<vmem>>, %arg4: memref<512x512xf32, #tpu.memory_space<vmem>>, %arg5: memref<1x512xf32, #tpu.memory_space<vmem>>, %arg6: memref<512x512xf32, #tpu.memory_space<vmem>>, %arg7: memref<1x512xf32, #tpu.memory_space<vmem>>, %arg8: memref<1x512xf32, #tpu.memory_space<vmem>>, %arg9: memref<1x1xf32, #tpu.memory_space<vmem>>, %arg10: memref<1024x1xf32, #tpu.memory_space<vmem>>) attributes {dimension_semantics = [#tpu.dimension_semantics<arbitrary>], iteration_bounds = array<i64: 4>, scalar_prefetch = 0 : i64, scratch_operands = 0 : i64, tpu.core_type = #tpu.core_type<tc>, window_params = [{transform_indices = @transform_0, window_bounds = array<i64: 1024, 1664>}, {pipeline_mode = #tpu.pipeline_mode<synchronous>, transform_indices = @transform_1, window_bounds = array<i64: 1664, 512>}, {pipeline_mode = #tpu.pipeline_mode<synchronous>, transform_indices = @transform_2, window_bounds = array<i64: 1, 512>}, {pipeline_mode = #tpu.pipeline_mode<synchronous>, transform_indices = @transform_3, window_bounds = array<i64: 512, 512>}, {pipeline_mode = #tpu.pipeline_mode<synchronous>, transform_indices = @transform_4, window_bounds = array<i64: 1, 512>}, {pipeline_mode = #tpu.pipeline_mode<synchronous>, transform_indices = @transform_5, window_bounds = array<i64: 512, 512>}, {pipeline_mode = #tpu.pipeline_mode<synchronous>, transform_indices = @transform_6, window_bounds = array<i64: 1, 512>}, {pipeline_mode = #tpu.pipeline_mode<synchronous>, transform_indices = @transform_7, window_bounds = array<i64: 1, 512>}, {pipeline_mode = #tpu.pipeline_mode<synchronous>, transform_indices = @transform_8, window_bounds = array<i64: 1, 1>}, {transform_indices = @transform_9, window_bounds = array<i64: 1024, 1>}]} {
    %get3A = arith.constant 0 : index
    %get3A_0 = arith.constant 0 : index
    %get3A_1 = vector.load %arg1[%get3A, %get3A_0] : memref<1024x1664xf32, #tpu.memory_space<vmem>>, vector<1024x1664xf32>
    %get3A_2 = arith.constant 0 : index
    %get3A_3 = arith.constant 0 : index
    %get3A_4 = vector.load %arg2[%get3A_2, %get3A_3] : memref<1664x512xf32, #tpu.memory_space<vmem>>, vector<1664x512xf32>
    %dot_general3A = arith.constant dense<0.000000e+00> : vector<1024x512xf32>
    %dot_general3A_5 = tpu.matmul %get3A_1, %get3A_4, %dot_general3A {dimension_numbers = #tpu.dot_dimension_numbers<[1], [0], [0], [1], [0, 0, 1, 1], [], []>, transpose_lhs_hint = false} : vector<1024x1664xf32>, vector<1664x512xf32>, vector<1024x512xf32> -> vector<1024x512xf32>
    %get3A_6 = arith.constant 0 : index
    %get3A_7 = arith.constant 0 : index
    %get3A_8 = vector.load %arg3[%get3A_6, %get3A_7] : memref<1x512xf32, #tpu.memory_space<vmem>>, vector<1x512xf32>
    %add3A = vector.broadcast %get3A_8 : vector<1x512xf32> to vector<1024x512xf32>
    %add3A_9 = arith.addf %dot_general3A_5, %add3A : vector<1024x512xf32>
    %max3A = arith.constant 0.000000e+00 : f32
    %max3A_10 = vector.broadcast %max3A : f32 to vector<1024x512xf32>
    %max3A_11 = arith.maximumf %add3A_9, %max3A_10 : vector<1024x512xf32>
    %get3A_12 = arith.constant 0 : index
    %get3A_13 = arith.constant 0 : index
    %get3A_14 = vector.load %arg4[%get3A_12, %get3A_13] : memref<512x512xf32, #tpu.memory_space<vmem>>, vector<512x512xf32>
    %dot_general3A_15 = arith.constant dense<0.000000e+00> : vector<1024x512xf32>
    %dot_general3A_16 = tpu.matmul %max3A_11, %get3A_14, %dot_general3A_15 {dimension_numbers = #tpu.dot_dimension_numbers<[1], [0], [0], [1], [0, 0, 1, 1], [], []>, transpose_lhs_hint = false} : vector<1024x512xf32>, vector<512x512xf32>, vector<1024x512xf32> -> vector<1024x512xf32>
    %get3A_17 = arith.constant 0 : index
    %get3A_18 = arith.constant 0 : index
    %get3A_19 = vector.load %arg5[%get3A_17, %get3A_18] : memref<1x512xf32, #tpu.memory_space<vmem>>, vector<1x512xf32>
    %add3A_20 = vector.broadcast %get3A_19 : vector<1x512xf32> to vector<1024x512xf32>
    %add3A_21 = arith.addf %dot_general3A_16, %add3A_20 : vector<1024x512xf32>
    %max3A_22 = arith.constant 0.000000e+00 : f32
    %max3A_23 = vector.broadcast %max3A_22 : f32 to vector<1024x512xf32>
    %max3A_24 = arith.maximumf %add3A_21, %max3A_23 : vector<1024x512xf32>
    %get3A_25 = arith.constant 0 : index
    %get3A_26 = arith.constant 0 : index
    %get3A_27 = vector.load %arg6[%get3A_25, %get3A_26] : memref<512x512xf32, #tpu.memory_space<vmem>>, vector<512x512xf32>
    %dot_general3A_28 = arith.constant dense<0.000000e+00> : vector<1024x512xf32>
    %dot_general3A_29 = tpu.matmul %max3A_24, %get3A_27, %dot_general3A_28 {dimension_numbers = #tpu.dot_dimension_numbers<[1], [0], [0], [1], [0, 0, 1, 1], [], []>, transpose_lhs_hint = false} : vector<1024x512xf32>, vector<512x512xf32>, vector<1024x512xf32> -> vector<1024x512xf32>
    %get3A_30 = arith.constant 0 : index
    %get3A_31 = arith.constant 0 : index
    %get3A_32 = vector.load %arg7[%get3A_30, %get3A_31] : memref<1x512xf32, #tpu.memory_space<vmem>>, vector<1x512xf32>
    %add3A_33 = vector.broadcast %get3A_32 : vector<1x512xf32> to vector<1024x512xf32>
    %add3A_34 = arith.addf %dot_general3A_29, %add3A_33 : vector<1024x512xf32>
    %max3A_35 = arith.constant 0.000000e+00 : f32
    %max3A_36 = vector.broadcast %max3A_35 : f32 to vector<1024x512xf32>
    %max3A_37 = arith.maximumf %add3A_34, %max3A_36 : vector<1024x512xf32>
    %get3A_38 = arith.constant 0 : index
    %get3A_39 = arith.constant 0 : index
    %get3A_40 = vector.load %arg8[%get3A_38, %get3A_39] : memref<1x512xf32, #tpu.memory_space<vmem>>, vector<1x512xf32>
    %mul3A = vector.broadcast %get3A_40 : vector<1x512xf32> to vector<1024x512xf32>
    %mul3A_41 = arith.mulf %max3A_37, %mul3A : vector<1024x512xf32>
    %reduce_sum3A = arith.constant dense<0.000000e+00> : vector<1024xf32>
    %reduce_sum3A_42 = vector.multi_reduction <add>, %mul3A_41, %reduce_sum3A [1] : vector<1024x512xf32> to vector<1024xf32>
    %broadcast_in_dim3A = vector.shape_cast %reduce_sum3A_42 : vector<1024xf32> to vector<1024x1xf32>
    %get3A_43 = arith.constant 0 : index
    %get3A_44 = arith.constant 0 : index
    %get3A_45 = vector.load %arg9[%get3A_43, %get3A_44] : memref<1x1xf32, #tpu.memory_space<vmem>>, vector<1x1xf32>
    %add3A_46 = vector.broadcast %get3A_45 : vector<1x1xf32> to vector<1024x1xf32>
    %add3A_47 = arith.addf %broadcast_in_dim3A, %add3A_46 : vector<1024x1xf32>
    %neg3A = arith.constant 0.000000e+00 : f32
    %neg3A_48 = vector.broadcast %neg3A : f32 to vector<1024x1xf32>
    %neg3A_49 = arith.subf %neg3A_48, %add3A_47 : vector<1024x1xf32>
    %exp3A = math.exp %neg3A_49 : vector<1024x1xf32>
    %add3A_50 = arith.constant 1.000000e+00 : f32
    %add3A_51 = vector.broadcast %add3A_50 : f32 to vector<1024x1xf32>
    %add3A_52 = arith.addf %add3A_51, %exp3A : vector<1024x1xf32>
    %div3A = arith.constant 1.000000e+00 : f32
    %div3A_53 = vector.broadcast %div3A : f32 to vector<1024x1xf32>
    %div3A_54 = arith.divf %div3A_53, %add3A_52 : vector<1024x1xf32>
    %swap3A = arith.constant 0 : index
    %swap3A_55 = arith.constant 0 : index
    %swap3A_56 = vector.load %arg10[%swap3A, %swap3A_55] : memref<1024x1xf32, #tpu.memory_space<vmem>>, vector<1024x1xf32>
    tpu.vector_store %arg10[%swap3A, %swap3A_55], %div3A_54 {strides = array<i32>} : memref<1024x1xf32, #tpu.memory_space<vmem>>, vector<1024x1xf32>,
    return
  }
  func.func @transform_0(%arg0: i32) -> (i32, i32) {
    %c0_i32 = arith.constant 0 : i32
    %c0_i32_0 = arith.constant 0 : i32
    return %arg0, %c0_i32 : i32, i32
  }
  func.func @transform_1(%arg0: i32) -> (i32, i32) {
    %c0_i32 = arith.constant 0 : i32
    %c0_i32_0 = arith.constant 0 : i32
    %c0_i32_1 = arith.constant 0 : i32
    return %c0_i32, %c0_i32_0 : i32, i32
  }
  func.func @transform_2(%arg0: i32) -> (i32, i32) {
    %c0_i32 = arith.constant 0 : i32
    %c0_i32_0 = arith.constant 0 : i32
    %c0_i32_1 = arith.constant 0 : i32
    return %c0_i32, %c0_i32_0 : i32, i32
  }
  func.func @transform_3(%arg0: i32) -> (i32, i32) {
    %c0_i32 = arith.constant 0 : i32
    %c0_i32_0 = arith.constant 0 : i32
    %c0_i32_1 = arith.constant 0 : i32
    return %c0_i32, %c0_i32_0 : i32, i32
  }
  func.func @transform_4(%arg0: i32) -> (i32, i32) {
    %c0_i32 = arith.constant 0 : i32
    %c0_i32_0 = arith.constant 0 : i32
    %c0_i32_1 = arith.constant 0 : i32
    return %c0_i32, %c0_i32_0 : i32, i32
  }
  func.func @transform_5(%arg0: i32) -> (i32, i32) {
    %c0_i32 = arith.constant 0 : i32
    %c0_i32_0 = arith.constant 0 : i32
    %c0_i32_1 = arith.constant 0 : i32
    return %c0_i32, %c0_i32_0 : i32, i32
  }
  func.func @transform_6(%arg0: i32) -> (i32, i32) {
    %c0_i32 = arith.constant 0 : i32
    %c0_i32_0 = arith.constant 0 : i32
    %c0_i32_1 = arith.constant 0 : i32
    return %c0_i32, %c0_i32_0 : i32, i32
  }
  func.func @transform_7(%arg0: i32) -> (i32, i32) {
    %c0_i32 = arith.constant 0 : i32
    %c0_i32_0 = arith.constant 0 : i32
    %c0_i32_1 = arith.constant 0 : i32
    return %c0_i32, %c0_i32_0 : i32, i32
  }
  func.func @transform_8(%arg0: i32) -> (i32, i32) {
    %c0_i32 = arith.constant 0 : i32
    %c0_i32_0 = arith.constant 0 : i32
    %c0_i32_1 = arith.constant 0 : i32
    return %c0_i32, %c0_i32_0 : i32, i32
  }
  func.func @transform_9(%arg0: i32) -> (i32, i32) {
    %c0_i32 = arith.constant 0 : i32
    %c0_i32_0 = arith.constant 0 : i32
    return %arg0, %c0_i32 : i32, i32
  }
}

</mosaic_0001>

<sc_bundles>
// kernel: kernel.4.cloned.1.call-start
scs
__scs_entry_jumppad:
0x0: {  	(pc) =	sbr.rel $0x88, $3  }
0x1: {  	(tag) =	ssettag $0x0;
	lr =	simm.s32 $0x1  }
0x2: {  	[smem:$0x3F97] =	sst lr;
	_ =	strace $0xD0000000  }
0x3: {  	_ = 	snop  }
0x4: {  	_ = 	snop  }
0x5: {  	_ = 	snop  }
0x6: {  	_ = 	snop  }
0x7: {  	_ = 	snop  }
__scs_overlays_trampoline_lowered:
0x8: {  	[smem:$0x3FA6] =	sst s0  }
0x9: {  	[smem:$0x3FA7] =	sst s1  }
0xa: {  	[smem:$0x3FA8] =	sst s2  }
0xb: {  	[smem:$0x3FA9] =	sst s3  }
0xc: {  	[smem:$0x3FAA] =	sst s4  }
0xd: {  	[smem:$0x3FAB] =	sst s5  }
0xe: {  	[smem:$0x3FAC] =	sst s6  }
0xf: {  	[smem:$0x3FAD] =	sst s7  }
0x10: {  	[smem:$0x3FAE] =	sst s8  }
0x11: {  	[smem:$0x3FAF] =	sst s9;
	s0 =	simm.s32 @!p0 $0x0  }
0x12: {  	s1 =	sld [smem:$0x3F95];
	s0 =	simm.s32 @p0 $0x1  }
0x13: {  	[smem:$0x3FB0] =	sst s0;
	s0 =	simm.s32 @!p1 $0x0  }
0x14: {  	s2 =	sld [smem:$0x3F94];
	s0 =	simm.s32 @p1 $0x1  }
0x15: {  	[smem:$0x3FB1] =	sst s0;
	s0 =	simm.s32 @!p2 $0x0  }
0x16: {  	s3 =	sld [smem:$0x3FDB];
	s0 =	simm.s32 @p2 $0x1  }
0x17: {  	s4 =	simm.s32 $0x1BF5;
	[smem:$0x3FB3] =	sst s0  }
0x18: {  	s0 =	sld [smem:$0x3F96];
	_ =	swait.ge [sflag:s4], $0x0  }
0x19: {  	s7 =	sld [smem:$0x3F97]  }
0x1a: {  	s8 =	sadd.s32 $0xFFFFE003, lr  }
0x1b: {  	s9 =	sadd.s32 $0xFFFFFEF7, lr;
	s5 =	simm.s32 $0xFFFFFFFF;
	p2 =	slt.u32 s8, $0xFFFFF086  }
0x1c: {  	p1 =	slt.u32 s9, $0xF7A;
	s5 =	simm.s32 @!p2 $0x0  }
0x1d: {  	s5 =	simm.s32 @p1 $0x1;
	p0 =	seq.s32 s7, s2  }
0x1e: {  	s7 =	smul.u32 @!p0 $0xF7A, s2;
	p2 =	seq.s32 @!p0 s5, $0x0  }
0x1f: {  	s9 =	smul.u32 $0xF7A, s1;
	s8 =	simm.s32 @!p0 $0x1BF5;
	p2 =	por !p2, p0  }
0x20: {  	[sflag:s8] =	ssyncset.s32 @!p0 $0xFFFFF086;
	s6 =	sadd.s32 @!p0 s3, s7;
	s7 =	simm.s32 @!p0 $0x108  }
0x21: {  	s3 =	sadd.s32 s3, s9;
	s6 =	sadd.s32 @!p0 $0x88, s6;
	s7 =	simm.s32 @p2 $0x1082  }
0x22: {  	[simem:s7], [sflag:s8] =	dma.local @!p0 [hbm:s6], $0xF7A  }
0x23: {  	s9 =	sor.u32 $0xD0000000, s2;
	s6 =	simm.s32 $0x108;
	_ =	swait.ge @!p0 [sflag:s8], $0x0  }
0x24: {  	s3 =	sadd.s32 $0x88, s3;
	s6 =	simm.s32 @!p1 $0x1082;
	[sflag:s4] =	ssyncset.s32 $0xFFFFF086  }
0x25: {  	[simem:s6], [sflag:s4] =	dma.local [hbm:s3], $0xF7A  }
0x26: {  	[smem:$0x3F97] =	sst s1;
	(tag) =	ssettag s2;
	_ =	strace s9  }
0x27: {  	s1 =	sld [smem:$0x3FA7]  }
0x28: {  	s2 =	sld [smem:$0x3FA8]  }
0x29: {  	s4 =	sld [smem:$0x3FAA]  }
0x2a: {  	p0 =	seq.s32 s5, $0x0;
	s5 =	sld [smem:$0x3FAB]  }
0x2b: {  	s6 =	sld [smem:$0x3FAC]  }
0x2c: {  	s7 =	sld [smem:$0x3FAD]  }
0x2d: {  	s3 =	simm.s32 $0x108;
	s8 =	sld [smem:$0x3FAE]  }
0x2e: {  	s3 =	simm.s32 @!p0 $0x1082;
	s9 =	sld [smem:$0x3FAF]  }
0x2f: {  	lr =	sadd.s32 s0, s3;
	s0 =	sld [smem:$0x3FA6]  }
0x30: {  	s3 =	sld [smem:$0x3FA9]  }
0x31: {  	[smem:$0x3FB2] =	sst s10  }
0x32: {  	s10 =	sld [smem:$0x3FB0];
	_ =	sdelay $0x3  }
0x33: {  	p0 =	seq.s32 s10, $0x1;
	s10 =	sld [smem:$0x3FB2];
	_ =	sdelay $0x3  }
0x34: {  	[smem:$0x3FB2] =	sst s10  }
0x35: {  	s10 =	sld [smem:$0x3FB1];
	_ =	sdelay $0x3  }
0x36: {  	p1 =	seq.s32 s10, $0x1;
	s10 =	sld [smem:$0x3FB2];
	_ =	sdelay $0x3  }
0x37: {  	[smem:$0x3FB2] =	sst s10  }
0x38: {  	s10 =	sld [smem:$0x3FB3]  }
0x39: {  	_ = 	snop;
	(pc) =	sbr.ind lr, $3  }
0x3a: {  	_ = 	snop  }
0x3b: {  	_ = 	snop  }
0x3c: {  	p2 =	seq.s32 s10, $0x1;
	s10 =	sld [smem:$0x3FB2]  }
0x3d: {  	_ =	shalt  }
0x3e: {  	_ =	shalt  }
0x3f: {  	_ =	shalt  }
0x40: {  	_ =	shalt  }
0x41: {  	_ =	shalt  }
0x42: {  	_ =	shalt  }
0x43: {  	_ =	shalt  }
0x44: {  	_ =	shalt  }
0x45: {  	_ =	shalt  }
0x46: {  	_ =	shalt  }
0x47: {  	_ =	shalt  }
0x48: {  	_ =	shalt  }
0x49: {  	_ =	shalt  }
0x4a: {  	_ =	shalt  }
0x4b: {  	_ =	shalt  }
0x4c: {  	_ =	shalt  }
0x4d: {  	_ =	shalt  }
0x4e: {  	_ =	shalt  }
0x4f: {  	_ =	shalt  }
0x50: {  	_ =	shalt  }
0x51: {  	_ =	shalt  }
0x52: {  	_ =	shalt  }
0x53: {  	_ =	shalt  }
0x54: {  	_ =	shalt  }
0x55: {  	_ =	shalt  }
0x56: {  	_ =	shalt  }
0x57: {  	_ =	shalt  }
0x58: {  	_ =	shalt  }
0x59: {  	_ =	shalt  }
0x5a: {  	_ =	shalt  }
0x5b: {  	_ =	shalt  }
0x5c: {  	_ =	shalt  }
0x5d: {  	_ =	shalt  }
0x5e: {  	_ =	shalt  }
0x5f: {  	_ =	shalt  }
0x60: {  	_ =	shalt  }
0x61: {  	_ =	shalt  }
0x62: {  	_ =	shalt  }
0x63: {  	_ =	shalt  }
0x64: {  	_ =	shalt  }
0x65: {  	_ =	shalt  }
0x66: {  	_ =	shalt  }
0x67: {  	_ =	shalt  }
0x68: {  	_ =	shalt  }
0x69: {  	_ =	shalt  }
0x6a: {  	_ =	shalt  }
0x6b: {  	_ =	shalt  }
0x6c: {  	_ =	shalt  }
0x6d: {  	_ =	shalt  }
0x6e: {  	_ =	shalt  }
0x6f: {  	_ =	shalt  }
0x70: {  	_ =	shalt  }
0x71: {  	_ =	shalt  }
0x72: {  	_ =	shalt  }
0x73: {  	_ =	shalt  }
0x74: {  	_ =	shalt  }
0x75: {  	_ =	shalt  }
0x76: {  	_ =	shalt  }
0x77: {  	_ =	shalt  }
0x78: {  	_ =	shalt  }
0x79: {  	_ =	shalt  }
0x7a: {  	_ =	shalt  }
0x7b: {  	_ =	shalt  }
0x7c: {  	_ =	shalt  }
0x7d: {  	_ =	shalt  }
0x7e: {  	_ =	shalt  }
0x7f: {  	_ =	shalt  }
0x80: {  	_ =	shalt  }
0x81: {  	_ =	shalt  }
0x82: {  	_ =	shalt  }
0x83: {  	_ =	shalt  }
0x84: {  	_ =	shalt  }
0x85: {  	_ =	shalt  }
0x86: {  	_ =	shalt  }
0x87: {  	_ =	shalt  }
.Lfunc_end0:
.L_simem_size_0:
called_computation_lowered:
.L_overlay_start_0:
0x88: {  	s2 =	sld [smem:$0x3FD9]  }
0x89: {  	s3 =	sld [smem:$0x3FFE];
	_ =	sdelay $0x1  }
0x8a: {  	s1 =	srdreg.scid  }
0x8b: {  	s0 =	sand.u32 $0x1, s1  }
0x8c: {  	s16 =	sshll.u32 s0, $0xA;
	s2 =	sadd.s32 s3, s2  }
0x8d: {  	s2 =	sadd.s32 s2, s16  }
0x8e: {  	[smem:$0x3FBE] =	sst s2  }
0x8f: {  	_ = 	snop  }
0x90: {  	(tm) =	ssettm $0x1  }
0x91: {  	s17 =	sld [smem:$0x3FFB];
	_ =	sdelay $0x3  }
0x92: {  	_ =	strace s17  }
0x93: {  	s2 =	sld [smem:$0x3FFC];
	_ =	sdelay $0x3  }
0x94: {  	_ =	strace s2  }
0x95: {  	s2 =	sld [smem:$0x3FFD];
	_ =	sdelay $0x3  }
0x96: {  	_ =	strace s2  }
0x97: {  	_ =	strace $0x8FFFFFFF  }
0x98: {  	s18 =	sld [smem:$0x3FDB];
	_ =	sdelay $0x1  }
0x99: {  	s19 =	simm.s32 $_scs_section_size  }
0x9a: {  	s4 =	simm.s32 $_size__tile_overlayer_lowered;
	s5 =	simm.s32 $_tile_overlayer_lowered  }
0x9b: {  	s22 =	simm.s32 $0x1BFF;
	s21 =	sshll.u32 s5, $0x1;
	s2 =	sadd.s32 s19, s18  }
0x9c: {  	s6 =	simm.s32 $0x0;
	s20 =	sshll.u32 s4, $0x1;
	s4 =	sadd.s32 s21, s2  }
0x9d: {  	[timem:s6], [sflag:s22] =	dma.local [hbm:s4], s20  }
0x9e: {  	_ =	swait.ge [sflag:s22], s20  }
0x9f: {  	s3 =	ssub.s32 $0x0, s20;
	[sflag:s22] =	ssyncset.done $0x0  }
0xa0: {  	[sflag:s22] =	ssyncadd.s32 s3;
	_ =	sdelay $0x1  }
0xa1: {  	s23 =	simm.s32 $0x1B8B  }
0xa2: {  	_ =	swait.ge [sflag:s23], $0x1  }
0xa3: {  	[sflag:s23] =	ssyncset.done $0x0  }
0xa4: {  	s25 =	simm.s32 $0x1B8E;
	s24 =	sld [smem:$0x3FFE];
	[sflag:s23] =	ssyncadd.s32 $0xFFFFFFFF  }
0xa5: {  	s26 =	simm.s32 $execute0_lowered;
	[smem:$0x3FD2] =	sst s25  }
0xa6: {  	s4 =	sshll.u32 s26, $0x1;
	_ =	strace $0x80000046;
	[dreg:$0x1] =	wrdreg $0xFFFFFFFF  }
0xa7: {  	s28 =	simm.s32 $_size_execute0_lowered;
	s2 =	sadd.s32 s2, s4;
	[dreg:$0x0] =	wrdreg $0x0  }
0xa8: {  	s4 =	sshll.u32 s28, $0x1;
	[dreg:$0x2] =	wrdreg s2  }
0xa9: {  	[dreg:$0x3] =	wrdreg s4  }
0xaa: {  	[dreg:$0x4] =	wrdreg $0xC0  }
0xab: {  	_ =	task [dreg:s6], $0x5FFFF  }
0xac: {  	[dreg:$0x1] =	wrdreg $0xFFFFFFFF  }
0xad: {  	[dreg:$0x0] =	wrdreg $0x60  }
0xae: {  	[dreg:$0x2] =	wrdreg s24  }
0xaf: {  	[dreg:$0x3] =	wrdreg $0x9  }
0xb0: {  	_ =	task.clear_ibuf [dreg:s6], $0x4FFFF;
	_ =	strace $0x90000046  }
0xb1: {  	s29 =	simm.s32 $0x9;
	_ =	strace $0x80000048  }
0xb2: {  	_ =	swait.ge [sflag:s29], $0x1  }
0xb3: {  	[sflag:s29] =	ssyncadd.s32 $0xFFFFFFFF  }
0xb4: {  	_ =	strace $0x90000048  }
0xb5: {  	_ =	sfence  }
0xb6: {  	s30 =	sld [smem:$0x0];
	_ =	sdelay $0x2  }
0xb7: {  	s31 =	sshll.u32 s1, $0xD;
	s1 =	sshrl.u32 s1, $0x2  }
0xb8: {  	s3 =	sand.u32 $0x4000, s31;
	s1 =	sadd.s32 s1, s30  }
0xb9: {  	s0 =	sor.u32 s3, s0;
	s1 =	sshll.u32 s1, $0x11  }
0xba: {  	s0 =	sor.u32 s1, s0  }
0xbb: {  	s0 =	sadd.s32 $0x8F2B, s0  }
0xbc: {  	[sflag:s0] =	ssyncadd.remote.s32 $0x1  }
0xbd: {  	_ =	sfence.sel $0xFFFF  }
0xbe: {  	[dreg:$0x0] =	wrdreg $0xFFFFFFFF;
	(pc) =	sbr.abs _section_cstart, $3  }
0xbf: {  	[dreg:$0x1] =	wrdreg $0xFFFFFFFF  }
0xc0: {  	_ =	task.clear_ibuf [dreg:s6], $0x2FFFF;
	_ =	strace $0x9FFFFFFF  }
0xc1: {  	(tm) =	ssettm $0x7FFFFFFF  }
tec
execute0_lowered:
.L_overlay_start_1:
0x0: {  	(tag) =	ssettag $0x1  }
0x1: {  	s0 =	srdreg.scid;
	s23 =	stileid.u32  }
0x2: {  	s0 =	sand.u32 $0x1, s0;
	s1 =	sshll.u32 s23, $0x1  }
0x3: {  	s3 =	sor.u32 s0, s1  }
0x4: {  	s2 =	simm.s32 $0x0;
	s4 =	smul.u32 $0x1A0, s3  }
0x5: {  	[smem:$0x7FF] =	sst s2;
	s5 =	smul.u32 $0x6800, s3  }
0x6: {  	s1 =	rddreg [dreg:$0x0];
	s3 =	smul.u32 $0x34000, s3  }
0x7: {  	_ =	strace $0x80000047;
	s6 =	sadd.s32 $0x37600, s1;
	s4 =	sadd.s32 s4, s1  }
0x8: {  	s30 =	sadd.s32 s6, s5;
	s3 =	sshrl.u32 s3, $0x3;
	s4 =	sadd.s32 $0x34200, s4  }
0x9: {  	s14 =	sadd.s32 $0x400, s30;
	s3 =	sadd.s32 s6, s3;
	[dreg:$0x2] =	wrdreg s4  }
0xa: {  	[dreg:$0x3] =	wrdreg s14;
	s15 =	sadd.s32 $0x800, s3  }
0xb: {  	s16 =	sadd.s32 $0xC00, s3;
	[dreg:$0x4] =	wrdreg s15  }
0xc: {  	s17 =	sadd.s32 $0x1000, s3;
	[dreg:$0x5] =	wrdreg s16  }
0xd: {  	s18 =	sadd.s32 $0x1400, s3;
	[dreg:$0x6] =	wrdreg s17  }
0xe: {  	s19 =	sadd.s32 $0x1800, s3;
	[dreg:$0x7] =	wrdreg s18  }
0xf: {  	s20 =	sadd.s32 $0x1C00, s3;
	[dreg:$0x8] =	wrdreg s19  }
0x10: {  	s21 =	sadd.s32 $0x2000, s3;
	[dreg:$0x9] =	wrdreg s20  }
0x11: {  	s22 =	sadd.s32 $0x2400, s3;
	[dreg:$0xa] =	wrdreg s21  }
0x12: {  	s24 =	sadd.s32 $0x2800, s3;
	[dreg:$0xb] =	wrdreg s22  }
0x13: {  	s25 =	sadd.s32 $0x2C00, s3;
	[dreg:$0xc] =	wrdreg s24  }
0x14: {  	s26 =	sadd.s32 $0x3000, s3;
	[dreg:$0xd] =	wrdreg s25  }
0x15: {  	s5 =	sadd.s32 $0x3400, s3;
	[dreg:$0xe] =	wrdreg s26  }
0x16: {  	s6 =	sadd.s32 $0x3800, s3;
	[dreg:$0xf] =	wrdreg s5  }
0x17: {  	s7 =	sadd.s32 $0x3C00, s3;
	[dreg:$0x10] =	wrdreg s6  }
0x18: {  	s8 =	sadd.s32 $0x4000, s3;
	[dreg:$0x11] =	wrdreg s7  }
0x19: {  	s31 =	simm.s32 $0xD;
	s9 =	sadd.s32 $0x4400, s3;
	[dreg:$0x12] =	wrdreg s8  }
0x1a: {  	p0 =	por $0x0, $0x0;
	s10 =	sadd.s32 $0x4800, s3;
	[dreg:$0x13] =	wrdreg s9  }
0x1b: {  	s29 =	simm.s32 $0xA80;
	s11 =	sadd.s32 $0x4C00, s3;
	[dreg:$0x14] =	wrdreg s10  }
0x1c: {  	s28 =	simm.s32 $0xB00;
	s12 =	sadd.s32 $0x5000, s3;
	[dreg:$0x15] =	wrdreg s11  }
0x1d: {  	s0 =	ssub.s32 $0x2, s0;
	s13 =	sadd.s32 $0x5400, s3;
	[dreg:$0x16] =	wrdreg s12  }
0x1e: {  	s14 =	sadd.s32 $0x5800, s3;
	s4 =	simm.s32 $0xD00;
	[dreg:$0x17] =	wrdreg s13  }
0x1f: {  	[dreg:$0x18] =	wrdreg s14;
	s15 =	sadd.s32 $0x5C00, s3;
	s16 =	sshrl.u32 s0, $0x1  }
0x20: {  	s17 =	sadd.s32 $0x6000, s3;
	s3 =	sadd.s32 $0x6400, s3;
	[dreg:$0x19] =	wrdreg s15  }
0x21: {  	s7 =	sadd.s32 $0x1400, s1;
	s12 =	simm.s32 $0x80;
	[dreg:$0x1a] =	wrdreg s17  }
0x22: {  	s18 =	simm.s32 $0x100;
	s19 =	simm.s32 $0x180;
	[dreg:$0x1b] =	wrdreg s3  }
0x23: {  	s20 =	simm.s32 $0x200;
	s21 =	simm.s32 $0x280;
	[dreg:$0x1c] =	wrdreg s18  }
0x24: {  	s13 =	simm.s32 $0x6D00;
	s22 =	simm.s32 $0x300;
	[dreg:$0x1d] =	wrdreg s19  }
0x25: {  	s11 =	simm.s32 $0x8D00;
	s24 =	simm.s32 $0x380;
	[dreg:$0x1e] =	wrdreg s20  }
0x26: {  	s9 =	simm.s32 $0xAD00;
	s25 =	simm.s32 $0x400;
	[dreg:$0x1f] =	wrdreg s21  }
0x27: {  	s8 =	simm.s32 $0x1;
	s26 =	simm.s32 $0x480;
	[smem:$0x7F0] =	sst s22  }
0x28: {  	s5 =	simm.s32 $0x7;
	s6 =	simm.s32 $0x500;
	[smem:$0x7F1] =	sst s24  }
0x29: {  	s10 =	simm.s32 $0x2;
	s14 =	simm.s32 $0x580;
	[smem:$0x7F2] =	sst s25  }
0x2a: {  	s0 =	ssub.s32 s0, s16;
	s3 =	simm.s32 $0x2D00;
	[smem:$0x7F3] =	sst s26  }
0x2b: {  	s15 =	simm.s32 $0x4D00;
	[smem:$0x7F4] =	sst s6;
	s6 =	simm.s32 $0x8  }
0x2c: {  	[smem:$0x7F5] =	sst s14;
	s16 =	simm.s32 $0x600;
	s19 =	simm.s32 $0x3  }
0x2d: {  	s17 =	simm.s32 $0x680;
	s14 =	simm.s32 $0x9;
	[smem:$0x7F6] =	sst s16  }
0x2e: {  	s18 =	simm.s32 $0x700;
	s20 =	simm.s32 $0x4;
	[smem:$0x7F7] =	sst s17  }
0x2f: {  	s21 =	simm.s32 $0x780;
	s22 =	simm.s32 $0x800;
	[smem:$0x7F8] =	sst s18  }
0x30: {  	s24 =	simm.s32 $0x880;
	s0 =	smax.u32 s0, $0x1;
	[smem:$0x7F9] =	sst s21  }
0x31: {  	s25 =	simm.s32 $0x900;
	[smem:$0x7FA] =	sst s22;
	p1 =	sne.s32 s0, $0x1  }
.Ltmp0:
0x32: {  	s26 =	simm.s32 $0x980;
	[smem:$0x7FB] =	sst s24;
	(pc) =	sbr.rel @!p1 .LBB2_1-.Ltmp0, $4  }
0x33: {  	s16 =	simm.s32 $0xA;
	s21 =	simm.s32 $0x5;
	[smem:$0x7FC] =	sst s25  }
0x34: {  	s17 =	simm.s32 $0xB;
	s22 =	simm.s32 $0x6;
	[smem:$0x7FD] =	sst s26  }
0x35: {  	s18 =	simm.s32 $0xC;
	s26 =	simm.s32 $0xB80;
	s25 =	simm.s32 $0xC00  }
0x36: {  	s24 =	simm.s32 $0xC80;
	s1 =	sadd.s32 $0xFFFFFFFF, s0;
	s0 =	rddreg [dreg:$0x2]  }
0x37: {  	[tilespmem:s2], [sflag:$0xD] =	stream.linear.gather [hbm4b:s0+s2], $0xD00, $0x38;
	[tilespmem:$0xCD00] =	vst v63  }
0x38: {  	_ =	swait.ge [sflag:s31], $0xD00  }
0x39: {  	[sflag:s31] =	ssyncset.done $0x0  }
0x3a: {  	[sflag:s31] =	ssyncadd.s32 $0xFFFFF300  }
0x3b: {  	[tilespmem:s4], [sflag:$0x1] =	stream.indirect.gather [hbm4b:s7+s12], $0x40, s2, s12, $0xb8;
	[tilespmem:$0xCD00] =	vst v63  }
0x3c: {  	_ = 	snop  }
0x3d: {  	[tilespmem:s3], [sflag:$0x2] =	stream.indirect.gather [hbm4b:s7+s12], $0x40, s12, s12, $0xb8;
	[tilespmem:$0xCD00] =	vst v63  }
0x3e: {  	s0 =	rddreg [dreg:$0x1c]  }
0x3f: {  	[tilespmem:s15], [sflag:$0x3] =	stream.indirect.gather [hbm4b:s7+s12], $0x40, s0, s12, $0xb8;
	[tilespmem:$0xCD00] =	vst v63  }
0x40: {  	s23 =	smov.u32 s1;
	s1 =	rddreg [dreg:$0x1d]  }
0x41: {  	[tilespmem:s13], [sflag:$0x4] =	stream.indirect.gather [hbm4b:s7+s12], $0x40, s1, s12, $0xb8;
	[tilespmem:$0xCD00] =	vst v63  }
0x42: {  	s0 =	rddreg [dreg:$0x1e]  }
0x43: {  	[tilespmem:s11], [sflag:$0x5] =	stream.indirect.gather [hbm4b:s7+s12], $0x40, s0, s12, $0xb8;
	[tilespmem:$0xCD00] =	vst v63  }
0x44: {  	s1 =	rddreg [dreg:$0x1f]  }
0x45: {  	[tilespmem:s9], [sflag:$0x6] =	stream.indirect.gather [hbm4b:s7+s12], $0x40, s1, s12, $0xb8;
	[tilespmem:$0xCD00] =	vst v63  }
0x46: {  	_ =	swait.ge [sflag:s8], $0x2000  }
0x47: {  	[sflag:s8] =	ssyncset.done $0x0  }
0x48: {  	[sflag:s8] =	ssyncadd.s32 $0xFFFFE000  }
0x49: {  	[hbm4b:s30+s2] =	stream.linear.scatter [tilespmem:s4], [sflag:$0x7], $0x2000, $0x38;
	[tilespmem:$0xCD00] =	vst v63  }
0x4a: {  	_ =	swait.ge [sflag:s5], $0x2000  }
0x4b: {  	s1 =	sld [smem:$0x7F0]  }
0x4c: {  	[sflag:s5] =	ssyncset.done $0x0  }
0x4d: {  	[sflag:s5] =	ssyncadd.s32 $0xFFFFE000  }
0x4e: {  	[tilespmem:s4], [sflag:$0x1] =	stream.indirect.gather [hbm4b:s7+s12], $0x40, s1, s12, $0xb8;
	[tilespmem:$0xCD00] =	vst v63  }
0x4f: {  	_ =	swait.ge [sflag:s10], $0x2000  }
0x50: {  	[sflag:s10] =	ssyncset.done $0x0  }
0x51: {  	s1 =	rddreg [dreg:$0x3];
	[sflag:s10] =	ssyncadd.s32 $0xFFFFE000  }
0x52: {  	[hbm4b:s1+s2] =	stream.linear.scatter [tilespmem:s3], [sflag:$0x8], $0x2000, $0x38;
	[tilespmem:$0xCD00] =	vst v63  }
0x53: {  	_ =	swait.ge [sflag:s6], $0x2000  }
0x54: {  	s1 =	sld [smem:$0x7F1]  }
0x55: {  	[sflag:s6] =	ssyncset.done $0x0  }
0x56: {  	[sflag:s6] =	ssyncadd.s32 $0xFFFFE000  }
0x57: {  	[tilespmem:s3], [sflag:$0x2] =	stream.indirect.gather [hbm4b:s7+s12], $0x40, s1, s12, $0xb8;
	[tilespmem:$0xCD00] =	vst v63  }
0x58: {  	_ =	swait.ge [sflag:s19], $0x2000  }
0x59: {  	[sflag:s19] =	ssyncset.done $0x0  }
0x5a: {  	s1 =	rddreg [dreg:$0x4];
	[sflag:s19] =	ssyncadd.s32 $0xFFFFE000  }
0x5b: {  	[hbm4b:s1+s2] =	stream.linear.scatter [tilespmem:s15], [sflag:$0x9], $0x2000, $0x38;
	[tilespmem:$0xCD00] =	vst v63  }
0x5c: {  	_ =	swait.ge [sflag:s14], $0x2000  }
0x5d: {  	s1 =	sld [smem:$0x7F2]  }
0x5e: {  	[sflag:s14] =	ssyncset.done $0x0  }
0x5f: {  	[sflag:s14] =	ssyncadd.s32 $0xFFFFE000  }
0x60: {  	[tilespmem:s15], [sflag:$0x3] =	stream.indirect.gather [hbm4b:s7+s12], $0x40, s1, s12, $0xb8;
	[tilespmem:$0xCD00] =	vst v63  }
0x61: {  	_ =	swait.ge [sflag:s20], $0x2000  }
0x62: {  	[sflag:s20] =	ssyncset.done $0x0  }
0x63: {  	s1 =	rddreg [dreg:$0x5];
	[sflag:s20] =	ssyncadd.s32 $0xFFFFE000  }
0x64: {  	[hbm4b:s1+s2] =	stream.linear.scatter [tilespmem:s13], [sflag:$0xA], $0x2000, $0x38;
	[tilespmem:$0xCD00] =	vst v63  }
0x65: {  	_ =	swait.ge [sflag:s16], $0x2000  }
0x66: {  	s1 =	sld [smem:$0x7F3]  }
0x67: {  	[sflag:s16] =	ssyncset.done $0x0  }
0x68: {  	[sflag:s16] =	ssyncadd.s32 $0xFFFFE000  }
0x69: {  	[tilespmem:s13], [sflag:$0x4] =	stream.indirect.gather [hbm4b:s7+s12], $0x40, s1, s12, $0xb8;
	[tilespmem:$0xCD00] =	vst v63  }
0x6a: {  	_ =	swait.ge [sflag:s21], $0x2000  }
0x6b: {  	[sflag:s21] =	ssyncset.done $0x0  }
0x6c: {  	s1 =	rddreg [dreg:$0x6];
	[sflag:s21] =	ssyncadd.s32 $0xFFFFE000  }
0x6d: {  	[hbm4b:s1+s2] =	stream.linear.scatter [tilespmem:s11], [sflag:$0xB], $0x2000, $0x38;
	[tilespmem:$0xCD00] =	vst v63  }
0x6e: {  	_ =	swait.ge [sflag:s17], $0x2000  }
0x6f: {  	s1 =	sld [smem:$0x7F4]  }
0x70: {  	[sflag:s17] =	ssyncset.done $0x0  }
0x71: {  	[sflag:s17] =	ssyncadd.s32 $0xFFFFE000  }
0x72: {  	[tilespmem:s11], [sflag:$0x5] =	stream.indirect.gather [hbm4b:s7+s12], $0x40, s1, s12, $0xb8;
	[tilespmem:$0xCD00] =	vst v63  }
0x73: {  	_ =	swait.ge [sflag:s22], $0x2000  }
0x74: {  	[sflag:s22] =	ssyncset.done $0x0  }
0x75: {  	s1 =	rddreg [dreg:$0x7];
	[sflag:s22] =	ssyncadd.s32 $0xFFFFE000  }
0x76: {  	[hbm4b:s1+s2] =	stream.linear.scatter [tilespmem:s9], [sflag:$0xC], $0x2000, $0x38;
	[tilespmem:$0xCD00] =	vst v63  }
0x77: {  	_ =	swait.ge [sflag:s18], $0x2000  }
0x78: {  	s1 =	sld [smem:$0x7F5]  }
0x79: {  	[sflag:s18] =	ssyncset.done $0x0  }
0x7a: {  	[sflag:s18] =	ssyncadd.s32 $0xFFFFE000  }
0x7b: {  	[tilespmem:s9], [sflag:$0x6] =	stream.indirect.gather [hbm4b:s7+s12], $0x40, s1, s12, $0xb8;
	[tilespmem:$0xCD00] =	vst v63  }
0x7c: {  	_ =	swait.ge [sflag:s8], $0x2000  }
0x7d: {  	[sflag:s8] =	ssyncset.done $0x0  }
0x7e: {  	s1 =	rddreg [dreg:$0x8];
	[sflag:s8] =	ssyncadd.s32 $0xFFFFE000  }
0x7f: {  	[hbm4b:s1+s2] =	stream.linear.scatter [tilespmem:s4], [sflag:$0x7], $0x2000, $0x38;
	[tilespmem:$0xCD00] =	vst v63  }
0x80: {  	_ =	swait.ge [sflag:s5], $0x2000  }
0x81: {  	s1 =	sld [smem:$0x7F6]  }
0x82: {  	[sflag:s5] =	ssyncset.done $0x0  }
0x83: {  	[sflag:s5] =	ssyncadd.s32 $0xFFFFE000  }
0x84: {  	[tilespmem:s4], [sflag:$0x1] =	stream.indirect.gather [hbm4b:s7+s12], $0x40, s1, s12, $0xb8;
	[tilespmem:$0xCD00] =	vst v63  }
0x85: {  	_ =	swait.ge [sflag:s10], $0x2000  }
0x86: {  	[sflag:s10] =	ssyncset.done $0x0  }
0x87: {  	s1 =	rddreg [dreg:$0x9];
	[sflag:s10] =	ssyncadd.s32 $0xFFFFE000  }
0x88: {  	[hbm4b:s1+s2] =	stream.linear.scatter [tilespmem:s3], [sflag:$0x8], $0x2000, $0x38;
	[tilespmem:$0xCD00] =	vst v63  }
0x89: {  	_ =	swait.ge [sflag:s6], $0x2000  }
0x8a: {  	s1 =	sld [smem:$0x7F7]  }
0x8b: {  	[sflag:s6] =	ssyncset.done $0x0  }
0x8c: {  	[sflag:s6] =	ssyncadd.s32 $0xFFFFE000  }
0x8d: {  	[tilespmem:s3], [sflag:$0x2] =	stream.indirect.gather [hbm4b:s7+s12], $0x40, s1, s12, $0xb8;
	[tilespmem:$0xCD00] =	vst v63  }
0x8e: {  	_ =	swait.ge [sflag:s19], $0x2000  }
0x8f: {  	[sflag:s19] =	ssyncset.done $0x0  }
0x90: {  	s1 =	rddreg [dreg:$0xa];
	[sflag:s19] =	ssyncadd.s32 $0xFFFFE000  }
0x91: {  	[hbm4b:s1+s2] =	stream.linear.scatter [tilespmem:s15], [sflag:$0x9], $0x2000, $0x38;
	[tilespmem:$0xCD00] =	vst v63  }
0x92: {  	_ =	swait.ge [sflag:s14], $0x2000  }
0x93: {  	s1 =	sld [smem:$0x7F8]  }
0x94: {  	[sflag:s14] =	ssyncset.done $0x0  }
0x95: {  	[sflag:s14] =	ssyncadd.s32 $0xFFFFE000  }
0x96: {  	[tilespmem:s15], [sflag:$0x3] =	stream.indirect.gather [hbm4b:s7+s12], $0x40, s1, s12, $0xb8;
	[tilespmem:$0xCD00] =	vst v63  }
0x97: {  	_ =	swait.ge [sflag:s20], $0x2000  }
0x98: {  	[sflag:s20] =	ssyncset.done $0x0  }
0x99: {  	s1 =	rddreg [dreg:$0xb];
	[sflag:s20] =	ssyncadd.s32 $0xFFFFE000  }
0x9a: {  	[hbm4b:s1+s2] =	stream.linear.scatter [tilespmem:s13], [sflag:$0xA], $0x2000, $0x38;
	[tilespmem:$0xCD00] =	vst v63  }
0x9b: {  	_ =	swait.ge [sflag:s16], $0x2000  }
0x9c: {  	s1 =	sld [smem:$0x7F9]  }
0x9d: {  	[sflag:s16] =	ssyncset.done $0x0  }
0x9e: {  	[sflag:s16] =	ssyncadd.s32 $0xFFFFE000  }
0x9f: {  	[tilespmem:s13], [sflag:$0x4] =	stream.indirect.gather [hbm4b:s7+s12], $0x40, s1, s12, $0xb8;
	[tilespmem:$0xCD00] =	vst v63  }
0xa0: {  	_ =	swait.ge [sflag:s21], $0x2000  }
0xa1: {  	[sflag:s21] =	ssyncset.done $0x0  }
0xa2: {  	s1 =	rddreg [dreg:$0xc];
	[sflag:s21] =	ssyncadd.s32 $0xFFFFE000  }
0xa3: {  	[hbm4b:s1+s2] =	stream.linear.scatter [tilespmem:s11], [sflag:$0xB], $0x2000, $0x38;
	[tilespmem:$0xCD00] =	vst v63  }
0xa4: {  	_ =	swait.ge [sflag:s17], $0x2000  }
0xa5: {  	s1 =	sld [smem:$0x7FA]  }
0xa6: {  	[sflag:s17] =	ssyncset.done $0x0  }
0xa7: {  	[sflag:s17] =	ssyncadd.s32 $0xFFFFE000  }
0xa8: {  	[tilespmem:s11], [sflag:$0x5] =	stream.indirect.gather [hbm4b:s7+s12], $0x40, s1, s12, $0xb8;
	[tilespmem:$0xCD00] =	vst v63  }
0xa9: {  	_ =	swait.ge [sflag:s22], $0x2000  }
0xaa: {  	[sflag:s22] =	ssyncset.done $0x0  }
0xab: {  	s1 =	rddreg [dreg:$0xd];
	[sflag:s22] =	ssyncadd.s32 $0xFFFFE000  }
0xac: {  	[hbm4b:s1+s2] =	stream.linear.scatter [tilespmem:s9], [sflag:$0xC], $0x2000, $0x38;
	[tilespmem:$0xCD00] =	vst v63  }
0xad: {  	_ =	swait.ge [sflag:s18], $0x2000  }
0xae: {  	s1 =	sld [smem:$0x7FB]  }
0xaf: {  	[sflag:s18] =	ssyncset.done $0x0  }
0xb0: {  	[sflag:s18] =	ssyncadd.s32 $0xFFFFE000  }
0xb1: {  	[tilespmem:s9], [sflag:$0x6] =	stream.indirect.gather [hbm4b:s7+s12], $0x40, s1, s12, $0xb8;
	[tilespmem:$0xCD00] =	vst v63  }
0xb2: {  	_ =	swait.ge [sflag:s8], $0x2000  }
0xb3: {  	[sflag:s8] =	ssyncset.done $0x0  }
0xb4: {  	s1 =	rddreg [dreg:$0xe];
	[sflag:s8] =	ssyncadd.s32 $0xFFFFE000  }
0xb5: {  	[hbm4b:s1+s2] =	stream.linear.scatter [tilespmem:s4], [sflag:$0x7], $0x2000, $0x38;
	[tilespmem:$0xCD00] =	vst v63  }
0xb6: {  	_ =	swait.ge [sflag:s5], $0x2000  }
0xb7: {  	s1 =	sld [smem:$0x7FC]  }
0xb8: {  	[sflag:s5] =	ssyncset.done $0x0  }
0xb9: {  	[sflag:s5] =	ssyncadd.s32 $0xFFFFE000  }
0xba: {  	[tilespmem:s4], [sflag:$0x1] =	stream.indirect.gather [hbm4b:s7+s12], $0x40, s1, s12, $0xb8;
	[tilespmem:$0xCD00] =	vst v63  }
0xbb: {  	_ =	swait.ge [sflag:s10], $0x2000  }
0xbc: {  	[sflag:s10] =	ssyncset.done $0x0  }
0xbd: {  	s1 =	rddreg [dreg:$0xf];
	[sflag:s10] =	ssyncadd.s32 $0xFFFFE000  }
0xbe: {  	[hbm4b:s1+s2] =	stream.linear.scatter [tilespmem:s3], [sflag:$0x8], $0x2000, $0x38;
	[tilespmem:$0xCD00] =	vst v63  }
0xbf: {  	_ =	swait.ge [sflag:s6], $0x2000  }
0xc0: {  	s1 =	sld [smem:$0x7FD]  }
0xc1: {  	[sflag:s6] =	ssyncset.done $0x0  }
0xc2: {  	[sflag:s6] =	ssyncadd.s32 $0xFFFFE000  }
0xc3: {  	[tilespmem:s3], [sflag:$0x2] =	stream.indirect.gather [hbm4b:s7+s12], $0x40, s1, s12, $0xb8;
	[tilespmem:$0xCD00] =	vst v63  }
0xc4: {  	_ =	swait.ge [sflag:s19], $0x2000  }
0xc5: {  	[sflag:s19] =	ssyncset.done $0x0  }
0xc6: {  	s1 =	rddreg [dreg:$0x10];
	[sflag:s19] =	ssyncadd.s32 $0xFFFFE000  }
0xc7: {  	[hbm4b:s1+s2] =	stream.linear.scatter [tilespmem:s15], [sflag:$0x9], $0x2000, $0x38;
	[tilespmem:$0xCD00] =	vst v63  }
0xc8: {  	_ =	swait.ge [sflag:s14], $0x2000  }
0xc9: {  	[sflag:s14] =	ssyncset.done $0x0  }
0xca: {  	s1 =	simm.s32 $0xA00;
	[sflag:s14] =	ssyncadd.s32 $0xFFFFE000  }
0xcb: {  	[tilespmem:s15], [sflag:$0x3] =	stream.indirect.gather [hbm4b:s7+s12], $0x40, s1, s12, $0xb8;
	[tilespmem:$0xCD00] =	vst v63  }
0xcc: {  	_ =	swait.ge [sflag:s20], $0x2000  }
0xcd: {  	[sflag:s20] =	ssyncset.done $0x0  }
0xce: {  	s1 =	rddreg [dreg:$0x11];
	[sflag:s20] =	ssyncadd.s32 $0xFFFFE000  }
0xcf: {  	[hbm4b:s1+s2] =	stream.linear.scatter [tilespmem:s13], [sflag:$0xA], $0x2000, $0x38;
	[tilespmem:$0xCD00] =	vst v63  }
0xd0: {  	_ =	swait.ge [sflag:s16], $0x2000  }
0xd1: {  	[sflag:s16] =	ssyncset.done $0x0  }
0xd2: {  	[sflag:s16] =	ssyncadd.s32 $0xFFFFE000  }
0xd3: {  	[tilespmem:s13], [sflag:$0x4] =	stream.indirect.gather [hbm4b:s7+s12], $0x40, s29, s12, $0xb8;
	[tilespmem:$0xCD00] =	vst v63  }
0xd4: {  	_ =	swait.ge [sflag:s21], $0x2000  }
0xd5: {  	[sflag:s21] =	ssyncset.done $0x0  }
0xd6: {  	s1 =	rddreg [dreg:$0x12];
	[sflag:s21] =	ssyncadd.s32 $0xFFFFE000  }
0xd7: {  	[hbm4b:s1+s2] =	stream.linear.scatter [tilespmem:s11], [sflag:$0xB], $0x2000, $0x38;
	[tilespmem:$0xCD00] =	vst v63  }
0xd8: {  	_ =	swait.ge [sflag:s17], $0x2000  }
0xd9: {  	[sflag:s17] =	ssyncset.done $0x0  }
0xda: {  	[sflag:s17] =	ssyncadd.s32 $0xFFFFE000  }
0xdb: {  	[tilespmem:s11], [sflag:$0x5] =	stream.indirect.gather [hbm4b:s7+s12], $0x40, s28, s12, $0xb8;
	[tilespmem:$0xCD00] =	vst v63  }
0xdc: {  	_ =	swait.ge [sflag:s22], $0x2000  }
0xdd: {  	[sflag:s22] =	ssyncset.done $0x0  }
0xde: {  	s1 =	rddreg [dreg:$0x13];
	[sflag:s22] =	ssyncadd.s32 $0xFFFFE000  }
0xdf: {  	[hbm4b:s1+s2] =	stream.linear.scatter [tilespmem:s9], [sflag:$0xC], $0x2000, $0x38;
	[tilespmem:$0xCD00] =	vst v63  }
0xe0: {  	_ =	swait.ge [sflag:s18], $0x2000  }
0xe1: {  	[sflag:s18] =	ssyncset.done $0x0  }
0xe2: {  	[sflag:s18] =	ssyncadd.s32 $0xFFFFE000  }
0xe3: {  	[tilespmem:s9], [sflag:$0x6] =	stream.indirect.gather [hbm4b:s7+s12], $0x40, s26, s12, $0xb8;
	[tilespmem:$0xCD00] =	vst v63  }
0xe4: {  	_ =	swait.ge [sflag:s8], $0x2000  }
0xe5: {  	[sflag:s8] =	ssyncset.done $0x0  }
0xe6: {  	s1 =	rddreg [dreg:$0x14];
	[sflag:s8] =	ssyncadd.s32 $0xFFFFE000  }
0xe7: {  	[hbm4b:s1+s2] =	stream.linear.scatter [tilespmem:s4], [sflag:$0x7], $0x2000, $0x38;
	[tilespmem:$0xCD00] =	vst v63  }
0xe8: {  	_ =	swait.ge [sflag:s5], $0x2000  }
0xe9: {  	[sflag:s5] =	ssyncset.done $0x0  }
0xea: {  	[sflag:s5] =	ssyncadd.s32 $0xFFFFE000  }
0xeb: {  	[tilespmem:s4], [sflag:$0x1] =	stream.indirect.gather [hbm4b:s7+s12], $0x40, s25, s12, $0xb8;
	[tilespmem:$0xCD00] =	vst v63  }
0xec: {  	_ =	swait.ge [sflag:s10], $0x2000  }
0xed: {  	[sflag:s10] =	ssyncset.done $0x0  }
0xee: {  	s1 =	rddreg [dreg:$0x15];
	[sflag:s10] =	ssyncadd.s32 $0xFFFFE000  }
0xef: {  	[hbm4b:s1+s2] =	stream.linear.scatter [tilespmem:s3], [sflag:$0x8], $0x2000, $0x38;
	[tilespmem:$0xCD00] =	vst v63  }
0xf0: {  	_ =	swait.ge [sflag:s6], $0x2000  }
0xf1: {  	[sflag:s6] =	ssyncset.done $0x0  }
0xf2: {  	[sflag:s6] =	ssyncadd.s32 $0xFFFFE000  }
0xf3: {  	[tilespmem:s3], [sflag:$0x2] =	stream.indirect.gather [hbm4b:s7+s12], $0x40, s24, s12, $0xb8;
	[tilespmem:$0xCD00] =	vst v63  }
0xf4: {  	_ =	swait.ge [sflag:s19], $0x2000  }
0xf5: {  	[sflag:s19] =	ssyncset.done $0x0  }
0xf6: {  	s1 =	rddreg [dreg:$0x16];
	[sflag:s19] =	ssyncadd.s32 $0xFFFFE000  }
0xf7: {  	[hbm4b:s1+s2] =	stream.linear.scatter [tilespmem:s15], [sflag:$0x9], $0x2000, $0x38;
	[tilespmem:$0xCD00] =	vst v63  }
0xf8: {  	_ =	swait.ge [sflag:s20], $0x2000  }
0xf9: {  	[sflag:s20] =	ssyncset.done $0x0  }
0xfa: {  	s1 =	rddreg [dreg:$0x17];
	[sflag:s20] =	ssyncadd.s32 $0xFFFFE000  }
0xfb: {  	[hbm4b:s1+s2] =	stream.linear.scatter [tilespmem:s13], [sflag:$0xA], $0x2000, $0x38;
	[tilespmem:$0xCD00] =	vst v63  }
0xfc: {  	_ =	swait.ge [sflag:s21], $0x2000  }
0xfd: {  	[sflag:s21] =	ssyncset.done $0x0  }
0xfe: {  	s1 =	rddreg [dreg:$0x18];
	[sflag:s21] =	ssyncadd.s32 $0xFFFFE000  }
0xff: {  	[hbm4b:s1+s2] =	stream.linear.scatter [tilespmem:s11], [sflag:$0xB], $0x2000, $0x38;
	[tilespmem:$0xCD00] =	vst v63  }
0x100: {  	_ =	swait.ge [sflag:s22], $0x2000  }
0x101: {  	[sflag:s22] =	ssyncset.done $0x0  }
0x102: {  	s1 =	rddreg [dreg:$0x19];
	[sflag:s22] =	ssyncadd.s32 $0xFFFFE000  }
0x103: {  	[hbm4b:s1+s2] =	stream.linear.scatter [tilespmem:s9], [sflag:$0xC], $0x2000, $0x38;
	[tilespmem:$0xCD00] =	vst v63  }
0x104: {  	_ =	swait.ge [sflag:s8], $0x2000  }
0x105: {  	[sflag:s8] =	ssyncset.done $0x0  }
0x106: {  	s1 =	rddreg [dreg:$0x1a];
	[sflag:s8] =	ssyncadd.s32 $0xFFFFE000  }
0x107: {  	[hbm4b:s1+s2] =	stream.linear.scatter [tilespmem:s4], [sflag:$0x7], $0x2000, $0x38;
	[tilespmem:$0xCD00] =	vst v63  }
0x108: {  	_ =	swait.ge [sflag:s10], $0x2000  }
0x109: {  	[sflag:s10] =	ssyncset.done $0x0  }
0x10a: {  	s1 =	rddreg [dreg:$0x1b];
	[sflag:s10] =	ssyncadd.s32 $0xFFFFE000  }
0x10b: {  	[hbm4b:s1+s2] =	stream.linear.scatter [tilespmem:s3], [sflag:$0x8], $0x2000, $0x38;
	[tilespmem:$0xCD00] =	vst v63  }
0x10c: {  	_ =	swait.ge [sflag:s14], $0x2000  }
0x10d: {  	[sflag:s14] =	ssyncset.done $0x0  }
0x10e: {  	[sflag:s14] =	ssyncadd.s32 $0xFFFFE000  }
0x10f: {  	_ =	swait.ge [sflag:s16], $0x2000  }
0x110: {  	[sflag:s16] =	ssyncset.done $0x0  }
0x111: {  	[sflag:s16] =	ssyncadd.s32 $0xFFFFE000  }
0x112: {  	_ =	swait.ge [sflag:s17], $0x2000  }
0x113: {  	[sflag:s17] =	ssyncset.done $0x0  }
0x114: {  	[sflag:s17] =	ssyncadd.s32 $0xFFFFE000  }
0x115: {  	_ =	swait.ge [sflag:s18], $0x2000  }
0x116: {  	[sflag:s18] =	ssyncset.done $0x0  }
0x117: {  	p1 =	sne.s32 s23, $0x1;
	[sflag:s18] =	ssyncadd.s32 $0xFFFFE000  }
.Ltmp1:
0x118: {  	_ =	swait.ge [sflag:s5], $0x2000;
	(pc) =	sbr.rel @!p1 .LBB2_3-.Ltmp1, $4  }
0x119: {  	[sflag:s5] =	ssyncset.done $0x0  }
0x11a: {  	[sflag:s5] =	ssyncadd.s32 $0xFFFFE000  }
0x11b: {  	p0 =	por $0x1, $0x1;
	_ =	swait.ge [sflag:s6], $0x2000  }
0x11c: {  	s1 =	sadd.s32 $0xFFFFFFFF, s23;
	s0 =	rddreg [dreg:$0x2];
	[sflag:s6] =	ssyncset.done $0x0  }
.LBB2_4:
0x11d: {  	[sflag:s6] =	ssyncadd.s32 $0xFFFFE000  }
0x11e: {  	[tilespmem:s2], [sflag:$0xD] =	stream.linear.gather [hbm4b:s0+s2], $0xD00, $0x38;
	[tilespmem:$0xCD00] =	vst v63  }
0x11f: {  	_ =	swait.ge [sflag:s31], $0xD00  }
0x120: {  	[sflag:s31] =	ssyncset.done $0x0  }
0x121: {  	[sflag:s31] =	ssyncadd.s32 $0xFFFFF300  }
0x122: {  	[tilespmem:s4], [sflag:$0x1] =	stream.indirect.gather [hbm4b:s7+s12], $0x40, s2, s12, $0xb8;
	[tilespmem:$0xCD00] =	vst v63  }
0x123: {  	_ = 	snop  }
0x124: {  	[tilespmem:s3], [sflag:$0x2] =	stream.indirect.gather [hbm4b:s7+s12], $0x40, s12, s12, $0xb8;
	[tilespmem:$0xCD00] =	vst v63  }
0x125: {  	s0 =	rddreg [dreg:$0x1c]  }
0x126: {  	[tilespmem:s15], [sflag:$0x3] =	stream.indirect.gather [hbm4b:s7+s12], $0x40, s0, s12, $0xb8;
	[tilespmem:$0xCD00] =	vst v63  }
0x127: {  	s23 =	rddreg [dreg:$0x1d]  }
0x128: {  	[tilespmem:s13], [sflag:$0x4] =	stream.indirect.gather [hbm4b:s7+s12], $0x40, s23, s12, $0xb8;
	[tilespmem:$0xCD00] =	vst v63  }
0x129: {  	s0 =	rddreg [dreg:$0x1e]  }
0x12a: {  	[tilespmem:s11], [sflag:$0x5] =	stream.indirect.gather [hbm4b:s7+s12], $0x40, s0, s12, $0xb8;
	[tilespmem:$0xCD00] =	vst v63  }
0x12b: {  	s23 =	rddreg [dreg:$0x1f]  }
0x12c: {  	[tilespmem:s9], [sflag:$0x6] =	stream.indirect.gather [hbm4b:s7+s12], $0x40, s23, s12, $0xb8;
	[tilespmem:$0xCD00] =	vst v63  }
0x12d: {  	_ =	swait.ge [sflag:s8], $0x2000  }
0x12e: {  	[sflag:s8] =	ssyncset.done $0x0  }
0x12f: {  	[sflag:s8] =	ssyncadd.s32 $0xFFFFE000  }
0x130: {  	[hbm4b:s30+s2] =	stream.linear.scatter [tilespmem:s4], [sflag:$0x7], $0x2000, $0x38;
	[tilespmem:$0xCD00] =	vst v63  }
0x131: {  	_ =	swait.ge [sflag:s5], $0x2000  }
0x132: {  	s23 =	sld [smem:$0x7F0]  }
0x133: {  	[sflag:s5] =	ssyncset.done $0x0  }
0x134: {  	[sflag:s5] =	ssyncadd.s32 $0xFFFFE000  }
0x135: {  	[tilespmem:s4], [sflag:$0x1] =	stream.indirect.gather [hbm4b:s7+s12], $0x40, s23, s12, $0xb8;
	[tilespmem:$0xCD00] =	vst v63  }
0x136: {  	_ =	swait.ge [sflag:s10], $0x2000  }
0x137: {  	[sflag:s10] =	ssyncset.done $0x0  }
0x138: {  	s23 =	rddreg [dreg:$0x3];
	[sflag:s10] =	ssyncadd.s32 $0xFFFFE000  }
0x139: {  	[hbm4b:s23+s2] =	stream.linear.scatter [tilespmem:s3], [sflag:$0x8], $0x2000, $0x38;
	[tilespmem:$0xCD00] =	vst v63  }
0x13a: {  	_ =	swait.ge [sflag:s6], $0x2000  }
0x13b: {  	s23 =	sld [smem:$0x7F1]  }
0x13c: {  	[sflag:s6] =	ssyncset.done $0x0  }
0x13d: {  	[sflag:s6] =	ssyncadd.s32 $0xFFFFE000  }
0x13e: {  	[tilespmem:s3], [sflag:$0x2] =	stream.indirect.gather [hbm4b:s7+s12], $0x40, s23, s12, $0xb8;
	[tilespmem:$0xCD00] =	vst v63  }
0x13f: {  	_ =	swait.ge [sflag:s19], $0x2000  }
0x140: {  	[sflag:s19] =	ssyncset.done $0x0  }
0x141: {  	s23 =	rddreg [dreg:$0x4];
	[sflag:s19] =	ssyncadd.s32 $0xFFFFE000  }
0x142: {  	[hbm4b:s23+s2] =	stream.linear.scatter [tilespmem:s15], [sflag:$0x9], $0x2000, $0x38;
	[tilespmem:$0xCD00] =	vst v63  }
0x143: {  	_ =	swait.ge [sflag:s14], $0x2000  }
0x144: {  	s23 =	sld [smem:$0x7F2]  }
0x145: {  	[sflag:s14] =	ssyncset.done $0x0  }
0x146: {  	[sflag:s14] =	ssyncadd.s32 $0xFFFFE000  }
0x147: {  	[tilespmem:s15], [sflag:$0x3] =	stream.indirect.gather [hbm4b:s7+s12], $0x40, s23, s12, $0xb8;
	[tilespmem:$0xCD00] =	vst v63  }
0x148: {  	_ =	swait.ge [sflag:s20], $0x2000  }
0x149: {  	[sflag:s20] =	ssyncset.done $0x0  }
0x14a: {  	s23 =	rddreg [dreg:$0x5];
	[sflag:s20] =	ssyncadd.s32 $0xFFFFE000  }
0x14b: {  	[hbm4b:s23+s2] =	stream.linear.scatter [tilespmem:s13], [sflag:$0xA], $0x2000, $0x38;
	[tilespmem:$0xCD00] =	vst v63  }
0x14c: {  	_ =	swait.ge [sflag:s16], $0x2000  }
0x14d: {  	s23 =	sld [smem:$0x7F3]  }
0x14e: {  	[sflag:s16] =	ssyncset.done $0x0  }
0x14f: {  	[sflag:s16] =	ssyncadd.s32 $0xFFFFE000  }
0x150: {  	[tilespmem:s13], [sflag:$0x4] =	stream.indirect.gather [hbm4b:s7+s12], $0x40, s23, s12, $0xb8;
	[tilespmem:$0xCD00] =	vst v63  }
0x151: {  	_ =	swait.ge [sflag:s21], $0x2000  }
0x152: {  	[sflag:s21] =	ssyncset.done $0x0  }
0x153: {  	s23 =	rddreg [dreg:$0x6];
	[sflag:s21] =	ssyncadd.s32 $0xFFFFE000  }
0x154: {  	[hbm4b:s23+s2] =	stream.linear.scatter [tilespmem:s11], [sflag:$0xB], $0x2000, $0x38;
	[tilespmem:$0xCD00] =	vst v63  }
0x155: {  	_ =	swait.ge [sflag:s17], $0x2000  }
0x156: {  	s23 =	sld [smem:$0x7F4]  }
0x157: {  	[sflag:s17] =	ssyncset.done $0x0  }
0x158: {  	[sflag:s17] =	ssyncadd.s32 $0xFFFFE000  }
0x159: {  	[tilespmem:s11], [sflag:$0x5] =	stream.indirect.gather [hbm4b:s7+s12], $0x40, s23, s12, $0xb8;
	[tilespmem:$0xCD00] =	vst v63  }
0x15a: {  	_ =	swait.ge [sflag:s22], $0x2000  }
0x15b: {  	[sflag:s22] =	ssyncset.done $0x0  }
0x15c: {  	s23 =	rddreg [dreg:$0x7];
	[sflag:s22] =	ssyncadd.s32 $0xFFFFE000  }
0x15d: {  	[hbm4b:s23+s2] =	stream.linear.scatter [tilespmem:s9], [sflag:$0xC], $0x2000, $0x38;
	[tilespmem:$0xCD00] =	vst v63  }
0x15e: {  	_ =	swait.ge [sflag:s18], $0x2000  }
0x15f: {  	s23 =	sld [smem:$0x7F5]  }
0x160: {  	[sflag:s18] =	ssyncset.done $0x0  }
0x161: {  	[sflag:s18] =	ssyncadd.s32 $0xFFFFE000  }
0x162: {  	[tilespmem:s9], [sflag:$0x6] =	stream.indirect.gather [hbm4b:s7+s12], $0x40, s23, s12, $0xb8;
	[tilespmem:$0xCD00] =	vst v63  }
0x163: {  	_ =	swait.ge [sflag:s8], $0x2000  }
0x164: {  	[sflag:s8] =	ssyncset.done $0x0  }
0x165: {  	s23 =	rddreg [dreg:$0x8];
	[sflag:s8] =	ssyncadd.s32 $0xFFFFE000  }
0x166: {  	[hbm4b:s23+s2] =	stream.linear.scatter [tilespmem:s4], [sflag:$0x7], $0x2000, $0x38;
	[tilespmem:$0xCD00] =	vst v63  }
0x167: {  	_ =	swait.ge [sflag:s5], $0x2000  }
0x168: {  	s23 =	sld [smem:$0x7F6]  }
0x169: {  	[sflag:s5] =	ssyncset.done $0x0  }
0x16a: {  	[sflag:s5] =	ssyncadd.s32 $0xFFFFE000  }
0x16b: {  	[tilespmem:s4], [sflag:$0x1] =	stream.indirect.gather [hbm4b:s7+s12], $0x40, s23, s12, $0xb8;
	[tilespmem:$0xCD00] =	vst v63  }
0x16c: {  	_ =	swait.ge [sflag:s10], $0x2000  }
0x16d: {  	[sflag:s10] =	ssyncset.done $0x0  }
0x16e: {  	s23 =	rddreg [dreg:$0x9];
	[sflag:s10] =	ssyncadd.s32 $0xFFFFE000  }
0x16f: {  	[hbm4b:s23+s2] =	stream.linear.scatter [tilespmem:s3], [sflag:$0x8], $0x2000, $0x38;
	[tilespmem:$0xCD00] =	vst v63  }
0x170: {  	_ =	swait.ge [sflag:s6], $0x2000  }
0x171: {  	s23 =	sld [smem:$0x7F7]  }
0x172: {  	[sflag:s6] =	ssyncset.done $0x0  }
0x173: {  	[sflag:s6] =	ssyncadd.s32 $0xFFFFE000  }
0x174: {  	[tilespmem:s3], [sflag:$0x2] =	stream.indirect.gather [hbm4b:s7+s12], $0x40, s23, s12, $0xb8;
	[tilespmem:$0xCD00] =	vst v63  }
0x175: {  	_ =	swait.ge [sflag:s19], $0x2000  }
0x176: {  	[sflag:s19] =	ssyncset.done $0x0  }
0x177: {  	s23 =	rddreg [dreg:$0xa];
	[sflag:s19] =	ssyncadd.s32 $0xFFFFE000  }
0x178: {  	[hbm4b:s23+s2] =	stream.linear.scatter [tilespmem:s15], [sflag:$0x9], $0x2000, $0x38;
	[tilespmem:$0xCD00] =	vst v63  }
0x179: {  	_ =	swait.ge [sflag:s14], $0x2000  }
0x17a: {  	s23 =	sld [smem:$0x7F8]  }
0x17b: {  	[sflag:s14] =	ssyncset.done $0x0  }
0x17c: {  	[sflag:s14] =	ssyncadd.s32 $0xFFFFE000  }
0x17d: {  	[tilespmem:s15], [sflag:$0x3] =	stream.indirect.gather [hbm4b:s7+s12], $0x40, s23, s12, $0xb8;
	[tilespmem:$0xCD00] =	vst v63  }
0x17e: {  	_ =	swait.ge [sflag:s20], $0x2000  }
0x17f: {  	[sflag:s20] =	ssyncset.done $0x0  }
0x180: {  	s23 =	rddreg [dreg:$0xb];
	[sflag:s20] =	ssyncadd.s32 $0xFFFFE000  }
0x181: {  	[hbm4b:s23+s2] =	stream.linear.scatter [tilespmem:s13], [sflag:$0xA], $0x2000, $0x38;
	[tilespmem:$0xCD00] =	vst v63  }
0x182: {  	_ =	swait.ge [sflag:s16], $0x2000  }
0x183: {  	s23 =	sld [smem:$0x7F9]  }
0x184: {  	[sflag:s16] =	ssyncset.done $0x0  }
0x185: {  	[sflag:s16] =	ssyncadd.s32 $0xFFFFE000  }
0x186: {  	[tilespmem:s13], [sflag:$0x4] =	stream.indirect.gather [hbm4b:s7+s12], $0x40, s23, s12, $0xb8;
	[tilespmem:$0xCD00] =	vst v63  }
0x187: {  	_ =	swait.ge [sflag:s21], $0x2000  }
0x188: {  	[sflag:s21] =	ssyncset.done $0x0  }
0x189: {  	s23 =	rddreg [dreg:$0xc];
	[sflag:s21] =	ssyncadd.s32 $0xFFFFE000  }
0x18a: {  	[hbm4b:s23+s2] =	stream.linear.scatter [tilespmem:s11], [sflag:$0xB], $0x2000, $0x38;
	[tilespmem:$0xCD00] =	vst v63  }
0x18b: {  	_ =	swait.ge [sflag:s17], $0x2000  }
0x18c: {  	s23 =	sld [smem:$0x7FA]  }
0x18d: {  	[sflag:s17] =	ssyncset.done $0x0  }
0x18e: {  	[sflag:s17] =	ssyncadd.s32 $0xFFFFE000  }
0x18f: {  	[tilespmem:s11], [sflag:$0x5] =	stream.indirect.gather [hbm4b:s7+s12], $0x40, s23, s12, $0xb8;
	[tilespmem:$0xCD00] =	vst v63  }
0x190: {  	_ =	swait.ge [sflag:s22], $0x2000  }
0x191: {  	[sflag:s22] =	ssyncset.done $0x0  }
0x192: {  	s23 =	rddreg [dreg:$0xd];
	[sflag:s22] =	ssyncadd.s32 $0xFFFFE000  }
0x193: {  	[hbm4b:s23+s2] =	stream.linear.scatter [tilespmem:s9], [sflag:$0xC], $0x2000, $0x38;
	[tilespmem:$0xCD00] =	vst v63  }
0x194: {  	_ =	swait.ge [sflag:s18], $0x2000  }
0x195: {  	s23 =	sld [smem:$0x7FB]  }
0x196: {  	[sflag:s18] =	ssyncset.done $0x0  }
0x197: {  	[sflag:s18] =	ssyncadd.s32 $0xFFFFE000  }
0x198: {  	[tilespmem:s9], [sflag:$0x6] =	stream.indirect.gather [hbm4b:s7+s12], $0x40, s23, s12, $0xb8;
	[tilespmem:$0xCD00] =	vst v63  }
0x199: {  	_ =	swait.ge [sflag:s8], $0x2000  }
0x19a: {  	[sflag:s8] =	ssyncset.done $0x0  }
0x19b: {  	s23 =	rddreg [dreg:$0xe];
	[sflag:s8] =	ssyncadd.s32 $0xFFFFE000  }
0x19c: {  	[hbm4b:s23+s2] =	stream.linear.scatter [tilespmem:s4], [sflag:$0x7], $0x2000, $0x38;
	[tilespmem:$0xCD00] =	vst v63  }
0x19d: {  	_ =	swait.ge [sflag:s5], $0x2000  }
0x19e: {  	s23 =	sld [smem:$0x7FC]  }
0x19f: {  	[sflag:s5] =	ssyncset.done $0x0  }
0x1a0: {  	[sflag:s5] =	ssyncadd.s32 $0xFFFFE000  }
0x1a1: {  	[tilespmem:s4], [sflag:$0x1] =	stream.indirect.gather [hbm4b:s7+s12], $0x40, s23, s12, $0xb8;
	[tilespmem:$0xCD00] =	vst v63  }
0x1a2: {  	_ =	swait.ge [sflag:s10], $0x2000  }
0x1a3: {  	[sflag:s10] =	ssyncset.done $0x0  }
0x1a4: {  	s23 =	rddreg [dreg:$0xf];
	[sflag:s10] =	ssyncadd.s32 $0xFFFFE000  }
0x1a5: {  	[hbm4b:s23+s2] =	stream.linear.scatter [tilespmem:s3], [sflag:$0x8], $0x2000, $0x38;
	[tilespmem:$0xCD00] =	vst v63  }
0x1a6: {  	_ =	swait.ge [sflag:s6], $0x2000  }
0x1a7: {  	s23 =	sld [smem:$0x7FD]  }
0x1a8: {  	[sflag:s6] =	ssyncset.done $0x0  }
0x1a9: {  	[sflag:s6] =	ssyncadd.s32 $0xFFFFE000  }
0x1aa: {  	[tilespmem:s3], [sflag:$0x2] =	stream.indirect.gather [hbm4b:s7+s12], $0x40, s23, s12, $0xb8;
	[tilespmem:$0xCD00] =	vst v63  }
0x1ab: {  	_ =	swait.ge [sflag:s19], $0x2000  }
0x1ac: {  	[sflag:s19] =	ssyncset.done $0x0  }
0x1ad: {  	s23 =	rddreg [dreg:$0x10];
	[sflag:s19] =	ssyncadd.s32 $0xFFFFE000  }
0x1ae: {  	[hbm4b:s23+s2] =	stream.linear.scatter [tilespmem:s15], [sflag:$0x9], $0x2000, $0x38;
	[tilespmem:$0xCD00] =	vst v63  }
0x1af: {  	_ =	swait.ge [sflag:s14], $0x2000  }
0x1b0: {  	[sflag:s14] =	ssyncset.done $0x0  }
0x1b1: {  	s23 =	simm.s32 $0xA00;
	[sflag:s14] =	ssyncadd.s32 $0xFFFFE000  }
0x1b2: {  	[tilespmem:s15], [sflag:$0x3] =	stream.indirect.gather [hbm4b:s7+s12], $0x40, s23, s12, $0xb8;
	[tilespmem:$0xCD00] =	vst v63  }
0x1b3: {  	_ =	swait.ge [sflag:s20], $0x2000  }
0x1b4: {  	[sflag:s20] =	ssyncset.done $0x0  }
0x1b5: {  	s23 =	rddreg [dreg:$0x11];
	[sflag:s20] =	ssyncadd.s32 $0xFFFFE000  }
0x1b6: {  	[hbm4b:s23+s2] =	stream.linear.scatter [tilespmem:s13], [sflag:$0xA], $0x2000, $0x38;
	[tilespmem:$0xCD00] =	vst v63  }
0x1b7: {  	_ =	swait.ge [sflag:s16], $0x2000  }
0x1b8: {  	[sflag:s16] =	ssyncset.done $0x0  }
0x1b9: {  	[sflag:s16] =	ssyncadd.s32 $0xFFFFE000  }
0x1ba: {  	[tilespmem:s13], [sflag:$0x4] =	stream.indirect.gather [hbm4b:s7+s12], $0x40, s29, s12, $0xb8;
	[tilespmem:$0xCD00] =	vst v63  }
0x1bb: {  	_ =	swait.ge [sflag:s21], $0x2000  }
0x1bc: {  	[sflag:s21] =	ssyncset.done $0x0  }
0x1bd: {  	s23 =	rddreg [dreg:$0x12];
	[sflag:s21] =	ssyncadd.s32 $0xFFFFE000  }
0x1be: {  	[hbm4b:s23+s2] =	stream.linear.scatter [tilespmem:s11], [sflag:$0xB], $0x2000, $0x38;
	[tilespmem:$0xCD00] =	vst v63  }
0x1bf: {  	_ =	swait.ge [sflag:s17], $0x2000  }
0x1c0: {  	[sflag:s17] =	ssyncset.done $0x0  }
0x1c1: {  	[sflag:s17] =	ssyncadd.s32 $0xFFFFE000  }
0x1c2: {  	[tilespmem:s11], [sflag:$0x5] =	stream.indirect.gather [hbm4b:s7+s12], $0x40, s28, s12, $0xb8;
	[tilespmem:$0xCD00] =	vst v63  }
0x1c3: {  	_ =	swait.ge [sflag:s22], $0x2000  }
0x1c4: {  	[sflag:s22] =	ssyncset.done $0x0  }
0x1c5: {  	s23 =	rddreg [dreg:$0x13];
	[sflag:s22] =	ssyncadd.s32 $0xFFFFE000  }
0x1c6: {  	[hbm4b:s23+s2] =	stream.linear.scatter [tilespmem:s9], [sflag:$0xC], $0x2000, $0x38;
	[tilespmem:$0xCD00] =	vst v63  }
0x1c7: {  	_ =	swait.ge [sflag:s18], $0x2000  }
0x1c8: {  	[sflag:s18] =	ssyncset.done $0x0  }
0x1c9: {  	[sflag:s18] =	ssyncadd.s32 $0xFFFFE000  }
0x1ca: {  	[tilespmem:s9], [sflag:$0x6] =	stream.indirect.gather [hbm4b:s7+s12], $0x40, s26, s12, $0xb8;
	[tilespmem:$0xCD00] =	vst v63  }
0x1cb: {  	_ =	swait.ge [sflag:s8], $0x2000  }
0x1cc: {  	[sflag:s8] =	ssyncset.done $0x0  }
0x1cd: {  	s23 =	rddreg [dreg:$0x14];
	[sflag:s8] =	ssyncadd.s32 $0xFFFFE000  }
0x1ce: {  	[hbm4b:s23+s2] =	stream.linear.scatter [tilespmem:s4], [sflag:$0x7], $0x2000, $0x38;
	[tilespmem:$0xCD00] =	vst v63  }
0x1cf: {  	_ =	swait.ge [sflag:s5], $0x2000  }
0x1d0: {  	[sflag:s5] =	ssyncset.done $0x0  }
0x1d1: {  	[sflag:s5] =	ssyncadd.s32 $0xFFFFE000  }
0x1d2: {  	[tilespmem:s4], [sflag:$0x1] =	stream.indirect.gather [hbm4b:s7+s12], $0x40, s25, s12, $0xb8;
	[tilespmem:$0xCD00] =	vst v63  }
0x1d3: {  	_ =	swait.ge [sflag:s10], $0x2000  }
0x1d4: {  	[sflag:s10] =	ssyncset.done $0x0  }
0x1d5: {  	s23 =	rddreg [dreg:$0x15];
	[sflag:s10] =	ssyncadd.s32 $0xFFFFE000  }
0x1d6: {  	[hbm4b:s23+s2] =	stream.linear.scatter [tilespmem:s3], [sflag:$0x8], $0x2000, $0x38;
	[tilespmem:$0xCD00] =	vst v63  }
0x1d7: {  	_ =	swait.ge [sflag:s6], $0x2000  }
0x1d8: {  	[sflag:s6] =	ssyncset.done $0x0  }
0x1d9: {  	[sflag:s6] =	ssyncadd.s32 $0xFFFFE000  }
0x1da: {  	[tilespmem:s3], [sflag:$0x2] =	stream.indirect.gather [hbm4b:s7+s12], $0x40, s24, s12, $0xb8;
	[tilespmem:$0xCD00] =	vst v63  }
0x1db: {  	_ =	swait.ge [sflag:s19], $0x2000  }
0x1dc: {  	[sflag:s19] =	ssyncset.done $0x0  }
0x1dd: {  	s23 =	rddreg [dreg:$0x16];
	[sflag:s19] =	ssyncadd.s32 $0xFFFFE000  }
0x1de: {  	[hbm4b:s23+s2] =	stream.linear.scatter [tilespmem:s15], [sflag:$0x9], $0x2000, $0x38;
	[tilespmem:$0xCD00] =	vst v63  }
0x1df: {  	_ =	swait.ge [sflag:s20], $0x2000  }
0x1e0: {  	[sflag:s20] =	ssyncset.done $0x0  }
0x1e1: {  	s23 =	rddreg [dreg:$0x17];
	[sflag:s20] =	ssyncadd.s32 $0xFFFFE000  }
0x1e2: {  	[hbm4b:s23+s2] =	stream.linear.scatter [tilespmem:s13], [sflag:$0xA], $0x2000, $0x38;
	[tilespmem:$0xCD00] =	vst v63  }
0x1e3: {  	_ =	swait.ge [sflag:s21], $0x2000  }
0x1e4: {  	[sflag:s21] =	ssyncset.done $0x0  }
0x1e5: {  	s23 =	rddreg [dreg:$0x18];
	[sflag:s21] =	ssyncadd.s32 $0xFFFFE000  }
0x1e6: {  	[hbm4b:s23+s2] =	stream.linear.scatter [tilespmem:s11], [sflag:$0xB], $0x2000, $0x38;
	[tilespmem:$0xCD00] =	vst v63  }
0x1e7: {  	_ =	swait.ge [sflag:s22], $0x2000  }
0x1e8: {  	[sflag:s22] =	ssyncset.done $0x0  }
0x1e9: {  	s23 =	rddreg [dreg:$0x19];
	[sflag:s22] =	ssyncadd.s32 $0xFFFFE000  }
0x1ea: {  	[hbm4b:s23+s2] =	stream.linear.scatter [tilespmem:s9], [sflag:$0xC], $0x2000, $0x38;
	[tilespmem:$0xCD00] =	vst v63  }
0x1eb: {  	_ =	swait.ge [sflag:s8], $0x2000  }
0x1ec: {  	[sflag:s8] =	ssyncset.done $0x0  }
0x1ed: {  	s23 =	rddreg [dreg:$0x1a];
	[sflag:s8] =	ssyncadd.s32 $0xFFFFE000  }
0x1ee: {  	[hbm4b:s23+s2] =	stream.linear.scatter [tilespmem:s4], [sflag:$0x7], $0x2000, $0x38;
	[tilespmem:$0xCD00] =	vst v63  }
0x1ef: {  	_ =	swait.ge [sflag:s10], $0x2000  }
0x1f0: {  	[sflag:s10] =	ssyncset.done $0x0  }
0x1f1: {  	s23 =	rddreg [dreg:$0x1b];
	[sflag:s10] =	ssyncadd.s32 $0xFFFFE000  }
0x1f2: {  	[hbm4b:s23+s2] =	stream.linear.scatter [tilespmem:s3], [sflag:$0x8], $0x2000, $0x38;
	[tilespmem:$0xCD00] =	vst v63  }
0x1f3: {  	_ =	swait.ge [sflag:s14], $0x2000  }
0x1f4: {  	[sflag:s14] =	ssyncset.done $0x0  }
0x1f5: {  	[sflag:s14] =	ssyncadd.s32 $0xFFFFE000  }
0x1f6: {  	_ =	swait.ge [sflag:s16], $0x2000  }
0x1f7: {  	[sflag:s16] =	ssyncset.done $0x0  }
0x1f8: {  	[sflag:s16] =	ssyncadd.s32 $0xFFFFE000  }
0x1f9: {  	_ =	swait.ge [sflag:s17], $0x2000  }
0x1fa: {  	[sflag:s17] =	ssyncset.done $0x0  }
0x1fb: {  	[sflag:s17] =	ssyncadd.s32 $0xFFFFE000  }
0x1fc: {  	_ =	swait.ge [sflag:s18], $0x2000  }
0x1fd: {  	[sflag:s18] =	ssyncset.done $0x0  }
0x1fe: {  	p1 =	sne.s32 s1, $0x1;
	[sflag:s18] =	ssyncadd.s32 $0xFFFFE000  }
.Ltmp2:
0x1ff: {  	_ =	swait.ge [sflag:s5], $0x2000;
	(pc) =	sbr.rel @p1 .LBB2_4-.Ltmp2, $4  }
0x200: {  	[sflag:s5] =	ssyncset.done $0x0  }
0x201: {  	[sflag:s5] =	ssyncadd.s32 $0xFFFFE000  }
0x202: {  	_ =	swait.ge [sflag:s6], $0x2000  }
0x203: {  	s1 =	sadd.s32 $0xFFFFFFFF, s1;
	s0 =	rddreg [dreg:$0x2];
	[sflag:s6] =	ssyncset.done $0x0  }
0x204: {  	s24 =	simm.s32 $0xA00;
	s29 =	simm.s32 $0xA80;
	s28 =	simm.s32 $0xB00  }
0x205: {  	s26 =	simm.s32 $0xB80;
	s25 =	simm.s32 $0xC00;
	s23 =	stileid.u32  }
.LBB2_6:
0x206: {  	[sflag:s6] =	ssyncadd.s32 @p0 $0xFFFFE000  }
0x207: {  	[tilespmem:s2], [sflag:$0xD] =	stream.linear.gather [hbm4b:s0+s2], $0xD00, $0x38;
	[tilespmem:$0xCD00] =	vst v63  }
0x208: {  	_ =	swait.ge [sflag:s31], $0xD00  }
0x209: {  	[sflag:s31] =	ssyncset.done $0x0  }
0x20a: {  	[sflag:s31] =	ssyncadd.s32 $0xFFFFF300  }
0x20b: {  	[tilespmem:s4], [sflag:$0x1] =	stream.indirect.gather [hbm4b:s7+s12], $0x40, s2, s12, $0xb8;
	[tilespmem:$0xCD00] =	vst v63  }
0x20c: {  	_ = 	snop  }
0x20d: {  	[tilespmem:s3], [sflag:$0x2] =	stream.indirect.gather [hbm4b:s7+s12], $0x40, s12, s12, $0xb8;
	[tilespmem:$0xCD00] =	vst v63  }
0x20e: {  	s31 =	rddreg [dreg:$0x1c]  }
0x20f: {  	[tilespmem:s15], [sflag:$0x3] =	stream.indirect.gather [hbm4b:s7+s12], $0x40, s31, s12, $0xb8;
	[tilespmem:$0xCD00] =	vst v63  }
0x210: {  	s1 =	rddreg [dreg:$0x1d]  }
0x211: {  	[tilespmem:s13], [sflag:$0x4] =	stream.indirect.gather [hbm4b:s7+s12], $0x40, s1, s12, $0xb8;
	[tilespmem:$0xCD00] =	vst v63  }
0x212: {  	s0 =	rddreg [dreg:$0x1e]  }
0x213: {  	[tilespmem:s11], [sflag:$0x5] =	stream.indirect.gather [hbm4b:s7+s12], $0x40, s0, s12, $0xb8;
	[tilespmem:$0xCD00] =	vst v63  }
0x214: {  	s31 =	rddreg [dreg:$0x1f]  }
0x215: {  	[tilespmem:s9], [sflag:$0x6] =	stream.indirect.gather [hbm4b:s7+s12], $0x40, s31, s12, $0xb8;
	[tilespmem:$0xCD00] =	vst v63  }
0x216: {  	_ =	swait.ge [sflag:s8], $0x2000  }
0x217: {  	[sflag:s8] =	ssyncset.done $0x0  }
0x218: {  	[sflag:s8] =	ssyncadd.s32 $0xFFFFE000  }
0x219: {  	[hbm4b:s30+s2] =	stream.linear.scatter [tilespmem:s4], [sflag:$0x7], $0x2000, $0x38;
	[tilespmem:$0xCD00] =	vst v63  }
0x21a: {  	_ =	swait.ge [sflag:s5], $0x2000  }
0x21b: {  	s1 =	sld [smem:$0x7F0]  }
0x21c: {  	[sflag:s5] =	ssyncset.done $0x0  }
0x21d: {  	[sflag:s5] =	ssyncadd.s32 $0xFFFFE000  }
0x21e: {  	[tilespmem:s4], [sflag:$0x1] =	stream.indirect.gather [hbm4b:s7+s12], $0x40, s1, s12, $0xb8;
	[tilespmem:$0xCD00] =	vst v63  }
0x21f: {  	_ =	swait.ge [sflag:s10], $0x2000  }
0x220: {  	[sflag:s10] =	ssyncset.done $0x0  }
0x221: {  	s30 =	rddreg [dreg:$0x3];
	[sflag:s10] =	ssyncadd.s32 $0xFFFFE000  }
0x222: {  	[hbm4b:s30+s2] =	stream.linear.scatter [tilespmem:s3], [sflag:$0x8], $0x2000, $0x38;
	[tilespmem:$0xCD00] =	vst v63  }
0x223: {  	_ =	swait.ge [sflag:s6], $0x2000  }
0x224: {  	s31 =	sld [smem:$0x7F1]  }
0x225: {  	[sflag:s6] =	ssyncset.done $0x0  }
0x226: {  	[sflag:s6] =	ssyncadd.s32 $0xFFFFE000  }
0x227: {  	[tilespmem:s3], [sflag:$0x2] =	stream.indirect.gather [hbm4b:s7+s12], $0x40, s31, s12, $0xb8;
	[tilespmem:$0xCD00] =	vst v63  }
0x228: {  	_ =	swait.ge [sflag:s19], $0x2000  }
0x229: {  	[sflag:s19] =	ssyncset.done $0x0  }
0x22a: {  	s1 =	rddreg [dreg:$0x4];
	[sflag:s19] =	ssyncadd.s32 $0xFFFFE000  }
0x22b: {  	[hbm4b:s1+s2] =	stream.linear.scatter [tilespmem:s15], [sflag:$0x9], $0x2000, $0x38;
	[tilespmem:$0xCD00] =	vst v63  }
0x22c: {  	_ =	swait.ge [sflag:s14], $0x2000  }
0x22d: {  	s30 =	sld [smem:$0x7F2]  }
0x22e: {  	[sflag:s14] =	ssyncset.done $0x0  }
0x22f: {  	[sflag:s14] =	ssyncadd.s32 $0xFFFFE000  }
0x230: {  	[tilespmem:s15], [sflag:$0x3] =	stream.indirect.gather [hbm4b:s7+s12], $0x40, s30, s12, $0xb8;
	[tilespmem:$0xCD00] =	vst v63  }
0x231: {  	_ =	swait.ge [sflag:s20], $0x2000  }
0x232: {  	[sflag:s20] =	ssyncset.done $0x0  }
0x233: {  	s31 =	rddreg [dreg:$0x5];
	[sflag:s20] =	ssyncadd.s32 $0xFFFFE000  }
0x234: {  	[hbm4b:s31+s2] =	stream.linear.scatter [tilespmem:s13], [sflag:$0xA], $0x2000, $0x38;
	[tilespmem:$0xCD00] =	vst v63  }
0x235: {  	_ =	swait.ge [sflag:s16], $0x2000  }
0x236: {  	s1 =	sld [smem:$0x7F3]  }
0x237: {  	[sflag:s16] =	ssyncset.done $0x0  }
0x238: {  	[sflag:s16] =	ssyncadd.s32 $0xFFFFE000  }
0x239: {  	[tilespmem:s13], [sflag:$0x4] =	stream.indirect.gather [hbm4b:s7+s12], $0x40, s1, s12, $0xb8;
	[tilespmem:$0xCD00] =	vst v63  }
0x23a: {  	_ =	swait.ge [sflag:s21], $0x2000  }
0x23b: {  	[sflag:s21] =	ssyncset.done $0x0  }
0x23c: {  	s30 =	rddreg [dreg:$0x6];
	[sflag:s21] =	ssyncadd.s32 $0xFFFFE000  }
0x23d: {  	[hbm4b:s30+s2] =	stream.linear.scatter [tilespmem:s11], [sflag:$0xB], $0x2000, $0x38;
	[tilespmem:$0xCD00] =	vst v63  }
0x23e: {  	_ =	swait.ge [sflag:s17], $0x2000  }
0x23f: {  	s31 =	sld [smem:$0x7F4]  }
0x240: {  	[sflag:s17] =	ssyncset.done $0x0  }
0x241: {  	[sflag:s17] =	ssyncadd.s32 $0xFFFFE000  }
0x242: {  	[tilespmem:s11], [sflag:$0x5] =	stream.indirect.gather [hbm4b:s7+s12], $0x40, s31, s12, $0xb8;
	[tilespmem:$0xCD00] =	vst v63  }
0x243: {  	_ =	swait.ge [sflag:s22], $0x2000  }
0x244: {  	[sflag:s22] =	ssyncset.done $0x0  }
0x245: {  	s1 =	rddreg [dreg:$0x7];
	[sflag:s22] =	ssyncadd.s32 $0xFFFFE000  }
0x246: {  	[hbm4b:s1+s2] =	stream.linear.scatter [tilespmem:s9], [sflag:$0xC], $0x2000, $0x38;
	[tilespmem:$0xCD00] =	vst v63  }
0x247: {  	_ =	swait.ge [sflag:s18], $0x2000  }
0x248: {  	s30 =	sld [smem:$0x7F5]  }
0x249: {  	[sflag:s18] =	ssyncset.done $0x0  }
0x24a: {  	[sflag:s18] =	ssyncadd.s32 $0xFFFFE000  }
0x24b: {  	[tilespmem:s9], [sflag:$0x6] =	stream.indirect.gather [hbm4b:s7+s12], $0x40, s30, s12, $0xb8;
	[tilespmem:$0xCD00] =	vst v63  }
0x24c: {  	_ =	swait.ge [sflag:s8], $0x2000  }
0x24d: {  	[sflag:s8] =	ssyncset.done $0x0  }
0x24e: {  	s31 =	rddreg [dreg:$0x8];
	[sflag:s8] =	ssyncadd.s32 $0xFFFFE000  }
0x24f: {  	[hbm4b:s31+s2] =	stream.linear.scatter [tilespmem:s4], [sflag:$0x7], $0x2000, $0x38;
	[tilespmem:$0xCD00] =	vst v63  }
0x250: {  	_ =	swait.ge [sflag:s5], $0x2000  }
0x251: {  	s1 =	sld [smem:$0x7F6]  }
0x252: {  	[sflag:s5] =	ssyncset.done $0x0  }
0x253: {  	[sflag:s5] =	ssyncadd.s32 $0xFFFFE000  }
0x254: {  	[tilespmem:s4], [sflag:$0x1] =	stream.indirect.gather [hbm4b:s7+s12], $0x40, s1, s12, $0xb8;
	[tilespmem:$0xCD00] =	vst v63  }
0x255: {  	_ =	swait.ge [sflag:s10], $0x2000  }
0x256: {  	[sflag:s10] =	ssyncset.done $0x0  }
0x257: {  	s30 =	rddreg [dreg:$0x9];
	[sflag:s10] =	ssyncadd.s32 $0xFFFFE000  }
0x258: {  	[hbm4b:s30+s2] =	stream.linear.scatter [tilespmem:s3], [sflag:$0x8], $0x2000, $0x38;
	[tilespmem:$0xCD00] =	vst v63  }
0x259: {  	_ =	swait.ge [sflag:s6], $0x2000  }
0x25a: {  	s31 =	sld [smem:$0x7F7]  }
0x25b: {  	[sflag:s6] =	ssyncset.done $0x0  }
0x25c: {  	[sflag:s6] =	ssyncadd.s32 $0xFFFFE000  }
0x25d: {  	[tilespmem:s3], [sflag:$0x2] =	stream.indirect.gather [hbm4b:s7+s12], $0x40, s31, s12, $0xb8;
	[tilespmem:$0xCD00] =	vst v63  }
0x25e: {  	_ =	swait.ge [sflag:s19], $0x2000  }
0x25f: {  	[sflag:s19] =	ssyncset.done $0x0  }
0x260: {  	s1 =	rddreg [dreg:$0xa];
	[sflag:s19] =	ssyncadd.s32 $0xFFFFE000  }
0x261: {  	[hbm4b:s1+s2] =	stream.linear.scatter [tilespmem:s15], [sflag:$0x9], $0x2000, $0x38;
	[tilespmem:$0xCD00] =	vst v63  }
0x262: {  	_ =	swait.ge [sflag:s14], $0x2000  }
0x263: {  	s30 =	sld [smem:$0x7F8]  }
0x264: {  	[sflag:s14] =	ssyncset.done $0x0  }
0x265: {  	[sflag:s14] =	ssyncadd.s32 $0xFFFFE000  }
0x266: {  	[tilespmem:s15], [sflag:$0x3] =	stream.indirect.gather [hbm4b:s7+s12], $0x40, s30, s12, $0xb8;
	[tilespmem:$0xCD00] =	vst v63  }
0x267: {  	_ =	swait.ge [sflag:s20], $0x2000  }
0x268: {  	[sflag:s20] =	ssyncset.done $0x0  }
0x269: {  	s31 =	rddreg [dreg:$0xb];
	[sflag:s20] =	ssyncadd.s32 $0xFFFFE000  }
0x26a: {  	[hbm4b:s31+s2] =	stream.linear.scatter [tilespmem:s13], [sflag:$0xA], $0x2000, $0x38;
	[tilespmem:$0xCD00] =	vst v63  }
0x26b: {  	_ =	swait.ge [sflag:s16], $0x2000  }
0x26c: {  	s1 =	sld [smem:$0x7F9]  }
0x26d: {  	[sflag:s16] =	ssyncset.done $0x0  }
0x26e: {  	[sflag:s16] =	ssyncadd.s32 $0xFFFFE000  }
0x26f: {  	[tilespmem:s13], [sflag:$0x4] =	stream.indirect.gather [hbm4b:s7+s12], $0x40, s1, s12, $0xb8;
	[tilespmem:$0xCD00] =	vst v63  }
0x270: {  	_ =	swait.ge [sflag:s21], $0x2000  }
0x271: {  	[sflag:s21] =	ssyncset.done $0x0  }
0x272: {  	s30 =	rddreg [dreg:$0xc];
	[sflag:s21] =	ssyncadd.s32 $0xFFFFE000  }
0x273: {  	[hbm4b:s30+s2] =	stream.linear.scatter [tilespmem:s11], [sflag:$0xB], $0x2000, $0x38;
	[tilespmem:$0xCD00] =	vst v63  }
0x274: {  	_ =	swait.ge [sflag:s17], $0x2000  }
0x275: {  	s31 =	sld [smem:$0x7FA]  }
0x276: {  	[sflag:s17] =	ssyncset.done $0x0  }
0x277: {  	[sflag:s17] =	ssyncadd.s32 $0xFFFFE000  }
0x278: {  	[tilespmem:s11], [sflag:$0x5] =	stream.indirect.gather [hbm4b:s7+s12], $0x40, s31, s12, $0xb8;
	[tilespmem:$0xCD00] =	vst v63  }
0x279: {  	_ =	swait.ge [sflag:s22], $0x2000  }
0x27a: {  	[sflag:s22] =	ssyncset.done $0x0  }
0x27b: {  	s1 =	rddreg [dreg:$0xd];
	[sflag:s22] =	ssyncadd.s32 $0xFFFFE000  }
0x27c: {  	[hbm4b:s1+s2] =	stream.linear.scatter [tilespmem:s9], [sflag:$0xC], $0x2000, $0x38;
	[tilespmem:$0xCD00] =	vst v63  }
0x27d: {  	_ =	swait.ge [sflag:s18], $0x2000  }
0x27e: {  	s30 =	sld [smem:$0x7FB]  }
0x27f: {  	[sflag:s18] =	ssyncset.done $0x0  }
0x280: {  	[sflag:s18] =	ssyncadd.s32 $0xFFFFE000  }
0x281: {  	[tilespmem:s9], [sflag:$0x6] =	stream.indirect.gather [hbm4b:s7+s12], $0x40, s30, s12, $0xb8;
	[tilespmem:$0xCD00] =	vst v63  }
0x282: {  	_ =	swait.ge [sflag:s8], $0x2000  }
0x283: {  	[sflag:s8] =	ssyncset.done $0x0  }
0x284: {  	s31 =	rddreg [dreg:$0xe];
	[sflag:s8] =	ssyncadd.s32 $0xFFFFE000  }
0x285: {  	[hbm4b:s31+s2] =	stream.linear.scatter [tilespmem:s4], [sflag:$0x7], $0x2000, $0x38;
	[tilespmem:$0xCD00] =	vst v63  }
0x286: {  	_ =	swait.ge [sflag:s5], $0x2000  }
0x287: {  	s1 =	sld [smem:$0x7FC]  }
0x288: {  	[sflag:s5] =	ssyncset.done $0x0  }
0x289: {  	[sflag:s5] =	ssyncadd.s32 $0xFFFFE000  }
0x28a: {  	[tilespmem:s4], [sflag:$0x1] =	stream.indirect.gather [hbm4b:s7+s12], $0x40, s1, s12, $0xb8;
	[tilespmem:$0xCD00] =	vst v63  }
0x28b: {  	_ =	swait.ge [sflag:s10], $0x2000  }
0x28c: {  	[sflag:s10] =	ssyncset.done $0x0  }
0x28d: {  	s30 =	rddreg [dreg:$0xf];
	[sflag:s10] =	ssyncadd.s32 $0xFFFFE000  }
0x28e: {  	[hbm4b:s30+s2] =	stream.linear.scatter [tilespmem:s3], [sflag:$0x8], $0x2000, $0x38;
	[tilespmem:$0xCD00] =	vst v63  }
0x28f: {  	_ =	swait.ge [sflag:s6], $0x2000  }
0x290: {  	s31 =	sld [smem:$0x7FD]  }
0x291: {  	[sflag:s6] =	ssyncset.done $0x0  }
0x292: {  	[sflag:s6] =	ssyncadd.s32 $0xFFFFE000  }
0x293: {  	[tilespmem:s3], [sflag:$0x2] =	stream.indirect.gather [hbm4b:s7+s12], $0x40, s31, s12, $0xb8;
	[tilespmem:$0xCD00] =	vst v63  }
0x294: {  	_ =	swait.ge [sflag:s19], $0x2000  }
0x295: {  	[sflag:s19] =	ssyncset.done $0x0  }
0x296: {  	s1 =	rddreg [dreg:$0x10];
	[sflag:s19] =	ssyncadd.s32 $0xFFFFE000  }
0x297: {  	[hbm4b:s1+s2] =	stream.linear.scatter [tilespmem:s15], [sflag:$0x9], $0x2000, $0x38;
	[tilespmem:$0xCD00] =	vst v63  }
0x298: {  	_ =	swait.ge [sflag:s14], $0x2000  }
0x299: {  	[sflag:s14] =	ssyncset.done $0x0  }
0x29a: {  	[sflag:s14] =	ssyncadd.s32 $0xFFFFE000  }
0x29b: {  	[tilespmem:s15], [sflag:$0x3] =	stream.indirect.gather [hbm4b:s7+s12], $0x40, s24, s12, $0xb8;
	[tilespmem:$0xCD00] =	vst v63  }
0x29c: {  	_ =	swait.ge [sflag:s20], $0x2000  }
0x29d: {  	[sflag:s20] =	ssyncset.done $0x0  }
0x29e: {  	s24 =	rddreg [dreg:$0x11];
	[sflag:s20] =	ssyncadd.s32 $0xFFFFE000  }
0x29f: {  	[hbm4b:s24+s2] =	stream.linear.scatter [tilespmem:s13], [sflag:$0xA], $0x2000, $0x38;
	[tilespmem:$0xCD00] =	vst v63  }
0x2a0: {  	_ =	swait.ge [sflag:s16], $0x2000  }
0x2a1: {  	[sflag:s16] =	ssyncset.done $0x0  }
0x2a2: {  	[sflag:s16] =	ssyncadd.s32 $0xFFFFE000  }
0x2a3: {  	[tilespmem:s13], [sflag:$0x4] =	stream.indirect.gather [hbm4b:s7+s12], $0x40, s29, s12, $0xb8;
	[tilespmem:$0xCD00] =	vst v63  }
0x2a4: {  	_ =	swait.ge [sflag:s21], $0x2000  }
0x2a5: {  	[sflag:s21] =	ssyncset.done $0x0  }
0x2a6: {  	s29 =	rddreg [dreg:$0x12];
	[sflag:s21] =	ssyncadd.s32 $0xFFFFE000  }
0x2a7: {  	[hbm4b:s29+s2] =	stream.linear.scatter [tilespmem:s11], [sflag:$0xB], $0x2000, $0x38;
	[tilespmem:$0xCD00] =	vst v63  }
0x2a8: {  	_ =	swait.ge [sflag:s17], $0x2000  }
0x2a9: {  	[sflag:s17] =	ssyncset.done $0x0  }
0x2aa: {  	[sflag:s17] =	ssyncadd.s32 $0xFFFFE000  }
0x2ab: {  	[tilespmem:s11], [sflag:$0x5] =	stream.indirect.gather [hbm4b:s7+s12], $0x40, s28, s12, $0xb8;
	[tilespmem:$0xCD00] =	vst v63  }
0x2ac: {  	_ =	swait.ge [sflag:s22], $0x2000  }
0x2ad: {  	[sflag:s22] =	ssyncset.done $0x0  }
0x2ae: {  	s30 =	rddreg [dreg:$0x13];
	[sflag:s22] =	ssyncadd.s32 $0xFFFFE000  }
0x2af: {  	[hbm4b:s30+s2] =	stream.linear.scatter [tilespmem:s9], [sflag:$0xC], $0x2000, $0x38;
	[tilespmem:$0xCD00] =	vst v63  }
0x2b0: {  	_ =	swait.ge [sflag:s18], $0x2000  }
0x2b1: {  	[sflag:s18] =	ssyncset.done $0x0  }
0x2b2: {  	[sflag:s18] =	ssyncadd.s32 $0xFFFFE000  }
0x2b3: {  	[tilespmem:s9], [sflag:$0x6] =	stream.indirect.gather [hbm4b:s7+s12], $0x40, s26, s12, $0xb8;
	[tilespmem:$0xCD00] =	vst v63  }
0x2b4: {  	_ =	swait.ge [sflag:s8], $0x2000  }
0x2b5: {  	[sflag:s8] =	ssyncset.done $0x0  }
0x2b6: {  	s31 =	rddreg [dreg:$0x14];
	[sflag:s8] =	ssyncadd.s32 $0xFFFFE000  }
0x2b7: {  	[hbm4b:s31+s2] =	stream.linear.scatter [tilespmem:s4], [sflag:$0x7], $0x2000, $0x38;
	[tilespmem:$0xCD00] =	vst v63  }
0x2b8: {  	_ =	swait.ge [sflag:s5], $0x2000  }
0x2b9: {  	[sflag:s5] =	ssyncset.done $0x0  }
0x2ba: {  	[sflag:s5] =	ssyncadd.s32 $0xFFFFE000  }
0x2bb: {  	[tilespmem:s4], [sflag:$0x1] =	stream.indirect.gather [hbm4b:s7+s12], $0x40, s25, s12, $0xb8;
	[tilespmem:$0xCD00] =	vst v63  }
0x2bc: {  	_ =	swait.ge [sflag:s10], $0x2000  }
0x2bd: {  	[sflag:s10] =	ssyncset.done $0x0  }
0x2be: {  	s1 =	rddreg [dreg:$0x15];
	[sflag:s10] =	ssyncadd.s32 $0xFFFFE000  }
0x2bf: {  	[hbm4b:s1+s2] =	stream.linear.scatter [tilespmem:s3], [sflag:$0x8], $0x2000, $0x38;
	[tilespmem:$0xCD00] =	vst v63  }
0x2c0: {  	_ =	swait.ge [sflag:s6], $0x2000  }
0x2c1: {  	[sflag:s6] =	ssyncset.done $0x0  }
0x2c2: {  	s24 =	simm.s32 $0xC80;
	[sflag:s6] =	ssyncadd.s32 $0xFFFFE000  }
0x2c3: {  	[tilespmem:s3], [sflag:$0x2] =	stream.indirect.gather [hbm4b:s7+s12], $0x40, s24, s12, $0xb8;
	[tilespmem:$0xCD00] =	vst v63  }
0x2c4: {  	_ =	swait.ge [sflag:s19], $0x2000  }
0x2c5: {  	[sflag:s19] =	ssyncset.done $0x0  }
0x2c6: {  	s25 =	rddreg [dreg:$0x16];
	[sflag:s19] =	ssyncadd.s32 $0xFFFFE000  }
0x2c7: {  	[hbm4b:s25+s2] =	stream.linear.scatter [tilespmem:s15], [sflag:$0x9], $0x2000, $0x38;
	[tilespmem:$0xCD00] =	vst v63  }
0x2c8: {  	_ =	swait.ge [sflag:s20], $0x2000  }
0x2c9: {  	[sflag:s20] =	ssyncset.done $0x0  }
0x2ca: {  	s26 =	rddreg [dreg:$0x17];
	[sflag:s20] =	ssyncadd.s32 $0xFFFFE000  }
0x2cb: {  	[hbm4b:s26+s2] =	stream.linear.scatter [tilespmem:s13], [sflag:$0xA], $0x2000, $0x38;
	[tilespmem:$0xCD00] =	vst v63  }
0x2cc: {  	_ =	swait.ge [sflag:s21], $0x2000  }
0x2cd: {  	[sflag:s21] =	ssyncset.done $0x0  }
0x2ce: {  	s28 =	rddreg [dreg:$0x18];
	[sflag:s21] =	ssyncadd.s32 $0xFFFFE000  }
0x2cf: {  	[hbm4b:s28+s2] =	stream.linear.scatter [tilespmem:s11], [sflag:$0xB], $0x2000, $0x38;
	[tilespmem:$0xCD00] =	vst v63  }
0x2d0: {  	_ =	swait.ge [sflag:s22], $0x2000  }
0x2d1: {  	[sflag:s22] =	ssyncset.done $0x0  }
0x2d2: {  	s29 =	rddreg [dreg:$0x19];
	[sflag:s22] =	ssyncadd.s32 $0xFFFFE000  }
0x2d3: {  	[hbm4b:s29+s2] =	stream.linear.scatter [tilespmem:s9], [sflag:$0xC], $0x2000, $0x38;
	[tilespmem:$0xCD00] =	vst v63  }
0x2d4: {  	_ =	swait.ge [sflag:s8], $0x2000  }
0x2d5: {  	[sflag:s8] =	ssyncset.done $0x0  }
0x2d6: {  	s30 =	rddreg [dreg:$0x1a];
	[sflag:s8] =	ssyncadd.s32 $0xFFFFE000  }
0x2d7: {  	[hbm4b:s30+s2] =	stream.linear.scatter [tilespmem:s4], [sflag:$0x7], $0x2000, $0x38;
	[tilespmem:$0xCD00] =	vst v63  }
0x2d8: {  	_ =	swait.ge [sflag:s10], $0x2000  }
0x2d9: {  	[sflag:s10] =	ssyncset.done $0x0  }
0x2da: {  	s31 =	rddreg [dreg:$0x1b];
	[sflag:s10] =	ssyncadd.s32 $0xFFFFE000  }
0x2db: {  	[hbm4b:s31+s2] =	stream.linear.scatter [tilespmem:s3], [sflag:$0x8], $0x2000, $0x38;
	[tilespmem:$0xCD00] =	vst v63  }
0x2dc: {  	_ =	swait.ge [sflag:s14], $0x2000  }
0x2dd: {  	[sflag:s14] =	ssyncset.done $0x0  }
0x2de: {  	[sflag:s14] =	ssyncadd.s32 $0xFFFFE000  }
0x2df: {  	_ =	swait.ge [sflag:s16], $0x2000  }
0x2e0: {  	[sflag:s16] =	ssyncset.done $0x0  }
0x2e1: {  	[sflag:s16] =	ssyncadd.s32 $0xFFFFE000  }
0x2e2: {  	_ =	swait.ge [sflag:s17], $0x2000  }
0x2e3: {  	[sflag:s17] =	ssyncset.done $0x0  }
0x2e4: {  	[sflag:s17] =	ssyncadd.s32 $0xFFFFE000  }
0x2e5: {  	_ =	swait.ge [sflag:s18], $0x2000  }
0x2e6: {  	[sflag:s18] =	ssyncset.done $0x0  }
0x2e7: {  	[sflag:s18] =	ssyncadd.s32 $0xFFFFE000  }
0x2e8: {  	_ =	swait.ge [sflag:s5], $0x2000  }
0x2e9: {  	[sflag:s5] =	ssyncset.done $0x0  }
0x2ea: {  	[sflag:s5] =	ssyncadd.s32 $0xFFFFE000  }
0x2eb: {  	_ =	swait.ge [sflag:s6], $0x2000  }
0x2ec: {  	[sflag:s6] =	ssyncset.done $0x0  }
0x2ed: {  	[sflag:s6] =	ssyncadd.s32 $0xFFFFE000  }
0x2ee: {  	_ =	sfence.sel $0x180000  }
0x2ef: {  	[bflag:$0x0] =	sbarrier.arrive $0xFFFF  }
0x2f0: {  	_ =	strace $0x90000047  }
0x2f1: {  	[bflag:$0x2] =	sbarrier.arrive $0xFFFF  }
0x2f2: {  	p0 =	sne.s32 s23, $0x0;
	s0 =	rddreg [dreg:$0x1]  }
0x2f3: {  	s0 =	sadd.s32 @!p0 $0x100000, s0  }
0x2f4: {  	[sflag:s0] =	ssyncadd.tile.s32 @!p0 $0x1;
	_ =	shalt  }
.LBB2_1:
.Ltmp3:
0x2f5: {  	(pc) =	sbr.rel .LBB2_6-.Ltmp3, $3  }
0x2f6: {  	_ =	sdelay $0x1  }
0x2f7: {  	s24 =	simm.s32 $0xA00;
	s29 =	simm.s32 $0xA80  }
0x2f8: {  	s28 =	simm.s32 $0xB00;
	s26 =	simm.s32 $0xB80;
	s25 =	simm.s32 $0xC00  }
.LBB2_3:
.Ltmp4:
0x2f9: {  	(pc) =	sbr.rel .LBB2_6-.Ltmp4, $3  }
0x2fa: {  	_ =	sdelay $0x1  }
0x2fb: {  	s24 =	simm.s32 $0xA00;
	s29 =	simm.s32 $0xA80;
	s28 =	simm.s32 $0xB00  }
0x2fc: {  	s26 =	simm.s32 $0xB80;
	s25 =	simm.s32 $0xC00;
	s23 =	stileid.u32  }
.Lfunc_end2:
_tile_overlayer_lowered:
.L_overlay_start_2:
0x2fd: {  	(tag) =	ssettag $0x2  }
0x2fe: {  	s0 =	rddreg [dreg:$0x0];
	s2 =	stileid.u32  }
0x2ff: {  	s1 =	rddreg [dreg:$0x1];
	p0 =	sne.s32 s2, $0x0  }
0x300: {  	s3 =	rddreg [dreg:$0x2];
	[bflag:$0x3] =	sbarrier.arrive $0xFFFF;
	s2 =	simm.s32 @!p0 $0x1C0D  }
0x301: {  	[timem:s3], [sflag:s2] =	dma.local @!p0 [hbm:s0], s1  }
0x302: {  	s0 =	simm.s32 @!p0 $0xD  }
0x303: {  	_ =	swait.ge @!p0 [sflag:s0], s1  }
0x304: {  	s1 =	ssub.s32 @!p0 $0x0, s1;
	[sflag:s0] =	ssyncset.done @!p0 $0x0  }
0x305: {  	[sflag:s0] =	ssyncadd.s32 @!p0 s1  }
0x306: {  	[bflag:$0x3] =	sbarrier.arrive $0xFFFF  }
0x307: {  	_ =	shalt  }

</sc_bundles>
